<compile_context>
chip_gen: v7x
topology: tpu7x:2x2x1
jax: 0.10.2.dev20260603
libtpu: 0.0.44.dev20260713+nightly
codegen_flags: <defaults>
</compile_context>

<pallas_src>
import functools

import jax
import jax.numpy as jnp
from jax import lax
from jax.experimental import pallas as pl
from jax.experimental.pallas import tpu as pltpu
from jax.experimental.pallas import tpu_sc as plsc

D_IN = 4096
H1 = 200
H = 50
D_OUT = 4096
DA = 20
BB = 16
LL = 1024
NLANE = 16
NPLANE = 1

TILE = 512
NTILES = D_IN // TILE


def _sc_counts(idx, zeros_flat):
  mesh = plsc.VectorSubcoreMesh(core_axis_name="c", subcore_axis_name="s")

  @functools.partial(
      pl.kernel,
      mesh=mesh,
      out_type=jax.ShapeDtypeStruct((BB * NPLANE, D_IN), jnp.float32),
      compiler_params=pltpu.CompilerParams(needs_layout_passes=False),
      scratch_types=[
          pltpu.VMEM((LL,), jnp.int32),
          pltpu.VMEM((NPLANE, D_IN), jnp.float32),
          pltpu.SemaphoreType.DMA,
          pltpu.SemaphoreType.DMA,
      ],
  )
  def hist(idx_hbm, zeros_hbm, out_hbm, idx_v, hist_v, sem1, sem2):
    c = lax.axis_index("c")
    s = lax.axis_index("s")
    wid = s * 2 + c

    @pl.when(wid < BB)
    def _():
      cp1 = pltpu.async_copy(idx_hbm.at[wid], idx_v, sem1)
      cp2 = pltpu.async_copy(zeros_hbm, hist_v, sem2)
      cp1.wait()
      cp2.wait()

      lane = lax.iota(jnp.int32, NLANE)
      ones16 = jnp.ones((NLANE,), jnp.float32)
      planes = [(lane - g * NPLANE) & (NPLANE - 1)
                for g in range(NLANE // NPLANE)]
      masks = [(lane >= g * NPLANE) & (lane < (g + 1) * NPLANE)
               for g in range(NLANE // NPLANE)]

      def scat_body(j, _):
        iv = idx_v[pl.ds(j * NLANE, NLANE)]
        for g in range(NLANE // NPLANE):
          plsc.addupdate_scatter(hist_v, [planes[g], iv], ones16,
                                 mask=masks[g])
        return ()

      lax.fori_loop(0, LL // NLANE, scat_body, ())

      pltpu.sync_copy(hist_v, out_hbm.at[pl.ds(wid * NPLANE, NPLANE)])

  return hist(idx, zeros_flat)


def _nt(a, b):
  return lax.dot_general(a, b, (((1,), (1,)), ((), ())),
                         preferred_element_type=jnp.float32)


def _nn(a, b):
  return lax.dot_general(a, b, (((1,), (0,)), ((), ())),
                         preferred_element_type=jnp.float32)


def _tn(a, b):
  return lax.dot_general(a, b, (((0,), (1,)), ((), ())),
                         preferred_element_type=jnp.float32)


def _onehot(rows, cols, fn, div=1):
  r = lax.broadcasted_iota(jnp.int32, (rows, cols), 0)
  c = lax.broadcasted_iota(jnp.int32, (rows, cols), 1)
  return jnp.where(fn(r) == c // div, 1.0, 0.0).astype(jnp.float32)


def _main_body(cnt_ref, w1t_ref, pc_ref, w4_ref, a_ref, wsa_ref, bsa_ref,
               w2_ref, b2_ref, w3_ref, b3_ref, b4_ref, out_ref,
               acc_ref, numer_ref, denom_ref):
  t = pl.program_id(0)

  c_t = cnt_ref[...]
  w1 = w1t_ref[...]

  s_t = jnp.tanh(_nn(a_ref[...], w1))
  e_t = jnp.exp(s_t)

  @pl.when(t == 0)
  def _():
    acc_ref[...] = jnp.zeros_like(acc_ref)
    numer_ref[...] = jnp.zeros_like(numer_ref)
    denom_ref[...] = jnp.zeros_like(denom_ref)

  denom_ref[...] += _nt(c_t, e_t)
  ohb = _onehot(BB * DA, BB, lambda r: r // DA)
  oha = _onehot(BB * DA, DA, lambda r: r % DA)
  r_t = _nn(ohb, c_t) * _nn(oha, e_t)
  numer_ref[...] += _nt(r_t, w1)

  gt = _tn(w1, w4_ref[...])
  q = gt * pc_ref[...]
  acc_ref[...] += _nn(c_t, q)

  @pl.when(t == NTILES - 1)
  def _():
    numer = numer_ref[...].reshape(BB, DA, H1)
    denom = denom_ref[...]
    emb = numer / denom[:, :, None]
    lz = jnp.sum(emb * wsa_ref[...][0][None, :, None], axis=1) + bsa_ref[0]
    z = jnp.tanh(lz)
    z = jnp.tanh(_nt(z, w2_ref[...]) + b2_ref[...][None, :])
    dz = jnp.tanh(_nt(z, w3_ref[...]) + b3_ref[...][None, :])
    y = _nt(dz, w4_ref[...]) + b4_ref[...][None, :] + acc_ref[...]
    out_ref[...] = jax.nn.sigmoid(y)


def _tc_main(counts2, w1t, pc, w4, a, wsa, bsa, w2, b2, w3, b3, b4):
  grid = (NTILES,)
  full = lambda shape: pl.BlockSpec(shape, lambda t: (0,) * len(shape))
  return pl.pallas_call(
      _main_body,
      grid=grid,
      in_specs=[
          pl.BlockSpec((BB * NPLANE, TILE), lambda t: (0, t)),
          pl.BlockSpec((H1, TILE), lambda t: (0, t)),
          pl.BlockSpec((TILE, D_OUT), lambda t: (t, 0)),
          full((D_OUT, H1)),
          full((DA, H1)),
          full((1, DA)),
          full((1,)),
          full((H, H1)),
          full((H,)),
          full((H1, H)),
          full((H1,)),
          full((D_OUT,)),
      ],
      out_specs=pl.BlockSpec((BB, D_OUT), lambda t: (0, 0)),
      out_shape=jax.ShapeDtypeStruct((BB, D_OUT), jnp.float32),
      scratch_shapes=[
          pltpu.VMEM((BB, D_OUT), jnp.float32),
          pltpu.VMEM((BB * DA, H1), jnp.float32),
          pltpu.VMEM((BB, DA), jnp.float32),
      ],
  )(counts2, w1t, pc, w4, a, wsa, bsa, w2, b2, w3, b3, b4)


def kernel(batch_item_index, place_correlation, W1, W2, b2, W3, b3, W4, b4,
           A, Wsa, bsa):
  zeros_flat = jnp.zeros((NPLANE, D_IN), jnp.float32)
  counts2 = _sc_counts(batch_item_index, zeros_flat)
  return _tc_main(
      counts2,
      W1,
      place_correlation,
      W4,
      A,
      Wsa,
      bsa,
      W2,
      b2,
      W3,
      b3,
      b4,
  )

# --- scband reference (transcript-rebuilt; emitter-appended) ---
"""Pipeline reference for scband-auto-encoder-16578573763087 (READ-ONLY COPY).

The authoritative reference and input builder live on the scoring server;
editing this copy changes nothing except your own understanding.
"""

import jax, jax.numpy as jnp
import numpy as np

D_in = 4096
H1 = 200
H = 50
D_out = 4096
DA = 20
B = 16
L = 1024


def setup_inputs(seed: int = 0) -> dict:
    key = jax.random.key(seed)
    ks = jax.random.split(key, 12)
    batch_item_index = jax.random.randint(ks[0], (B, L), 0, D_in, dtype=jnp.int64 if jax.config.jax_enable_x64 else jnp.int32).astype(jnp.int32)
    place_correlation = jax.random.uniform(ks[1], (D_in, D_in), dtype=jnp.float32)
    s1 = 1.0 / np.sqrt(D_in)
    W1 = jax.random.uniform(ks[2], (H1, D_in), minval=-s1, maxval=s1, dtype=jnp.float32)
    s2 = 1.0 / np.sqrt(H1)
    W2 = jax.random.uniform(ks[3], (H, H1), minval=-s2, maxval=s2, dtype=jnp.float32)
    b2 = jax.random.uniform(ks[4], (H,), minval=-s2, maxval=s2, dtype=jnp.float32)
    s3 = 1.0 / np.sqrt(H)
    W3 = jax.random.uniform(ks[5], (H1, H), minval=-s3, maxval=s3, dtype=jnp.float32)
    b3 = jax.random.uniform(ks[6], (H1,), minval=-s3, maxval=s3, dtype=jnp.float32)
    s4 = 1.0 / np.sqrt(H1)
    W4 = jax.random.uniform(ks[7], (D_out, H1), minval=-s4, maxval=s4, dtype=jnp.float32)
    b4 = jax.random.uniform(ks[8], (D_out,), minval=-s4, maxval=s4, dtype=jnp.float32)
    # xavier_uniform for attention_matrix1 [da, H1]
    sa = np.sqrt(6.0 / (DA + H1))
    A = jax.random.uniform(ks[9], (DA, H1), minval=-sa, maxval=sa, dtype=jnp.float32)
    ssa = 1.0 / np.sqrt(DA)
    Wsa = jax.random.uniform(ks[10], (1, DA), minval=-ssa, maxval=ssa, dtype=jnp.float32)
    bsa = jax.random.uniform(ks[11], (1,), minval=-ssa, maxval=ssa, dtype=jnp.float32)
    return {
        "batch_item_index": batch_item_index,
        "place_correlation": place_correlation,
        "W1": W1, "W2": W2, "b2": b2, "W3": W3, "b3": b3,
        "W4": W4, "b4": b4, "A": A, "Wsa": Wsa, "bsa": bsa,
    }


def reference(batch_item_index, place_correlation, W1, W2, b2, W3, b3, W4, b4, A, Wsa, bsa):
    def per_user(idx):
        # item_vector = linear1.weight[:, idx] -> [H1, L]
        iv = W1[:, idx]
        # inner_product = item_vector.T @ linear4.weight.T -> [L, D_out]
        ip = iv.T @ W4.T
        # item_corr = place_correlation[idx] -> [L, D_in]
        corr = jnp.take(place_correlation, idx, axis=0)
        ip = ip * corr
        neighbor = jnp.sum(ip, axis=0)  # [D_out]
        # attention
        score = jnp.tanh(A @ iv)  # [da, L]
        score = jax.nn.softmax(score, axis=1)
        emb = score @ iv.T  # [da, H1]
        # self_attention(emb.T).T -> [1, H1]
        lz = (emb.T @ Wsa.T)[:, 0] + bsa[0]  # [H1]
        return neighbor, lz

    neighbor_product, linear_z = jax.vmap(per_user)(batch_item_index)
    # eval mode: dropout is identity
    z = jnp.tanh(linear_z)
    z = jnp.tanh(z @ W2.T + b2)
    d_z = jnp.tanh(z @ W3.T + b3)
    y_pred = jax.nn.sigmoid(d_z @ W4.T + b4 + neighbor_product)
    return y_pred

if __name__ == "__main__":
    import jax
    _d = setup_inputs()
    print(jax.jit(kernel)(*tuple(_d.values())))

</pallas_src>

<mosaic_0001>
#map = affine_map<(d0, d1) -> (0, 0)>
module attributes {stable_mosaic.version = 14 : i64} {
  func.func @hist(%arg0: i32, %arg1: i32, %arg2: memref<16x1024xi32, #tpu.memory_space<hbm>>, %arg3: memref<1x4096xf32, #tpu.memory_space<hbm>>, %arg4: memref<16x4096xf32, #tpu.memory_space<hbm>>, %arg5: memref<1024xi32, #tpu.memory_space<vmem>>, %arg6: memref<1x4096xf32, #tpu.memory_space<vmem>>, %arg7: memref<!tpu.dma_semaphore, #tpu.memory_space<semaphore_mem>>, %arg8: memref<!tpu.dma_semaphore, #tpu.memory_space<semaphore_mem>>) attributes {dimension_semantics = [#tpu.dimension_semantics<core_parallel>, #tpu.dimension_semantics<subcore_parallel>], iteration_bounds = array<i64: 2, 16>, scalar_prefetch = 0 : i64, scratch_operands = 4 : i64, tpu.core_type = #tpu.core_type<sc_vector_subcore>, window_params = [{transform_indices = #map}, {transform_indices = #map}, {transform_indices = #map}]} {
    %mul3A = arith.constant 2 : i32
    %mul3A_0 = arith.muli %arg1, %mul3A : i32
    %add3A = arith.addi %mul3A_0, %arg0 : i32
    %lt3A = arith.constant 16 : i32
    %lt3A_1 = arith.cmpi slt, %add3A, %lt3A : i32
    %convert_element_type3A = arith.extui %lt3A_1 : i1 to i32
    %cond3A = arith.constant 0 : i32
    %cond3A_2 = arith.cmpi ne, %convert_element_type3A, %cond3A : i32
    scf.if %cond3A_2 {
      %dma_start3A = arith.constant 0 : i32
      %dma_start3A_3 = tpu.memref_slice %arg2[%add3A, %dma_start3A] : memref<16x1024xi32, #tpu.memory_space<hbm>> -> memref<1x1024xi32, #tpu.memory_space<hbm>>
      %dma_start3A_4 = tpu.memref_squeeze %dma_start3A_3 : memref<1x1024xi32, #tpu.memory_space<hbm>> -> memref<1024xi32, #tpu.memory_space<hbm>>
      %dma_start3A_5 = arith.constant 0 : i32
      %dma_start3A_6 = tpu.memref_slice %arg2[%add3A, %dma_start3A_5] : memref<16x1024xi32, #tpu.memory_space<hbm>> -> memref<1x1024xi32, #tpu.memory_space<hbm>>
      %dma_start3A_7 = tpu.memref_squeeze %dma_start3A_6 : memref<1x1024xi32, #tpu.memory_space<hbm>> -> memref<1024xi32, #tpu.memory_space<hbm>>
      tpu.enqueue_dma source(%dma_start3A_7 : memref<1024xi32, #tpu.memory_space<hbm>>) target(%arg5 : memref<1024xi32, #tpu.memory_space<vmem>>) target_semaphore(%arg7 : memref<!tpu.dma_semaphore, #tpu.memory_space<semaphore_mem>>)
      tpu.enqueue_dma source(%arg3 : memref<1x4096xf32, #tpu.memory_space<hbm>>) target(%arg6 : memref<1x4096xf32, #tpu.memory_space<vmem>>) target_semaphore(%arg8 : memref<!tpu.dma_semaphore, #tpu.memory_space<semaphore_mem>>)
      %dma_wait3A = arith.constant 0 : i32
      %dma_wait3A_8 = tpu.memref_slice %arg2[%add3A, %dma_wait3A] : memref<16x1024xi32, #tpu.memory_space<hbm>> -> memref<1x1024xi32, #tpu.memory_space<hbm>>
      %dma_wait3A_9 = tpu.memref_squeeze %dma_wait3A_8 : memref<1x1024xi32, #tpu.memory_space<hbm>> -> memref<1024xi32, #tpu.memory_space<hbm>>
      %dma_wait3A_10 = arith.constant 0 : i32
      %dma_wait3A_11 = tpu.memref_slice %arg2[%add3A, %dma_wait3A_10] : memref<16x1024xi32, #tpu.memory_space<hbm>> -> memref<1x1024xi32, #tpu.memory_space<hbm>>
      %dma_wait3A_12 = tpu.memref_squeeze %dma_wait3A_11 : memref<1x1024xi32, #tpu.memory_space<hbm>> -> memref<1024xi32, #tpu.memory_space<hbm>>
      tpu.wait_dma2 semaphore(%arg7 : memref<!tpu.dma_semaphore, #tpu.memory_space<semaphore_mem>>) src(%dma_wait3A_12 : memref<1024xi32, #tpu.memory_space<hbm>>) dst(%arg5 : memref<1024xi32, #tpu.memory_space<vmem>>)
      tpu.wait_dma2 semaphore(%arg8 : memref<!tpu.dma_semaphore, #tpu.memory_space<semaphore_mem>>) src(%arg3 : memref<1x4096xf32, #tpu.memory_space<hbm>>) dst(%arg6 : memref<1x4096xf32, #tpu.memory_space<vmem>>)
      %iota3A = tpu.iota {dimensions = array<i32: 0>} : vector<16xi32>
      %broadcast_in_dim3A = arith.constant 1.000000e+00 : f32
      %broadcast_in_dim3A_13 = vector.broadcast %broadcast_in_dim3A : f32 to vector<16xf32>
      %sub3A = arith.constant 0 : i32
      %sub3A_14 = vector.broadcast %sub3A : i32 to vector<16xi32>
      %sub3A_15 = arith.subi %iota3A, %sub3A_14 : vector<16xi32>
      %and3A = arith.constant 0 : i32
      %and3A_16 = vector.broadcast %and3A : i32 to vector<16xi32>
      %and3A_17 = arith.andi %sub3A_15, %and3A_16 : vector<16xi32>
      %sub3A_18 = arith.constant 1 : i32
      %sub3A_19 = vector.broadcast %sub3A_18 : i32 to vector<16xi32>
      %sub3A_20 = arith.subi %iota3A, %sub3A_19 : vector<16xi32>
      %and3A_21 = arith.constant 0 : i32
      %and3A_22 = vector.broadcast %and3A_21 : i32 to vector<16xi32>
      %and3A_23 = arith.andi %sub3A_20, %and3A_22 : vector<16xi32>
      %sub3A_24 = arith.constant 2 : i32
      %sub3A_25 = vector.broadcast %sub3A_24 : i32 to vector<16xi32>
      %sub3A_26 = arith.subi %iota3A, %sub3A_25 : vector<16xi32>
      %and3A_27 = arith.constant 0 : i32
      %and3A_28 = vector.broadcast %and3A_27 : i32 to vector<16xi32>
      %and3A_29 = arith.andi %sub3A_26, %and3A_28 : vector<16xi32>
      %sub3A_30 = arith.constant 3 : i32
      %sub3A_31 = vector.broadcast %sub3A_30 : i32 to vector<16xi32>
      %sub3A_32 = arith.subi %iota3A, %sub3A_31 : vector<16xi32>
      %and3A_33 = arith.constant 0 : i32
      %and3A_34 = vector.broadcast %and3A_33 : i32 to vector<16xi32>
      %and3A_35 = arith.andi %sub3A_32, %and3A_34 : vector<16xi32>
      %sub3A_36 = arith.constant 4 : i32
      %sub3A_37 = vector.broadcast %sub3A_36 : i32 to vector<16xi32>
      %sub3A_38 = arith.subi %iota3A, %sub3A_37 : vector<16xi32>
      %and3A_39 = arith.constant 0 : i32
      %and3A_40 = vector.broadcast %and3A_39 : i32 to vector<16xi32>
      %and3A_41 = arith.andi %sub3A_38, %and3A_40 : vector<16xi32>
      %sub3A_42 = arith.constant 5 : i32
      %sub3A_43 = vector.broadcast %sub3A_42 : i32 to vector<16xi32>
      %sub3A_44 = arith.subi %iota3A, %sub3A_43 : vector<16xi32>
      %and3A_45 = arith.constant 0 : i32
      %and3A_46 = vector.broadcast %and3A_45 : i32 to vector<16xi32>
      %and3A_47 = arith.andi %sub3A_44, %and3A_46 : vector<16xi32>
      %sub3A_48 = arith.constant 6 : i32
      %sub3A_49 = vector.broadcast %sub3A_48 : i32 to vector<16xi32>
      %sub3A_50 = arith.subi %iota3A, %sub3A_49 : vector<16xi32>
      %and3A_51 = arith.constant 0 : i32
      %and3A_52 = vector.broadcast %and3A_51 : i32 to vector<16xi32>
      %and3A_53 = arith.andi %sub3A_50, %and3A_52 : vector<16xi32>
      %sub3A_54 = arith.constant 7 : i32
      %sub3A_55 = vector.broadcast %sub3A_54 : i32 to vector<16xi32>
      %sub3A_56 = arith.subi %iota3A, %sub3A_55 : vector<16xi32>
      %and3A_57 = arith.constant 0 : i32
      %and3A_58 = vector.broadcast %and3A_57 : i32 to vector<16xi32>
      %and3A_59 = arith.andi %sub3A_56, %and3A_58 : vector<16xi32>
      %sub3A_60 = arith.constant 8 : i32
      %sub3A_61 = vector.broadcast %sub3A_60 : i32 to vector<16xi32>
      %sub3A_62 = arith.subi %iota3A, %sub3A_61 : vector<16xi32>
      %and3A_63 = arith.constant 0 : i32
      %and3A_64 = vector.broadcast %and3A_63 : i32 to vector<16xi32>
      %and3A_65 = arith.andi %sub3A_62, %and3A_64 : vector<16xi32>
      %sub3A_66 = arith.constant 9 : i32
      %sub3A_67 = vector.broadcast %sub3A_66 : i32 to vector<16xi32>
      %sub3A_68 = arith.subi %iota3A, %sub3A_67 : vector<16xi32>
      %and3A_69 = arith.constant 0 : i32
      %and3A_70 = vector.broadcast %and3A_69 : i32 to vector<16xi32>
      %and3A_71 = arith.andi %sub3A_68, %and3A_70 : vector<16xi32>
      %sub3A_72 = arith.constant 10 : i32
      %sub3A_73 = vector.broadcast %sub3A_72 : i32 to vector<16xi32>
      %sub3A_74 = arith.subi %iota3A, %sub3A_73 : vector<16xi32>
      %and3A_75 = arith.constant 0 : i32
      %and3A_76 = vector.broadcast %and3A_75 : i32 to vector<16xi32>
      %and3A_77 = arith.andi %sub3A_74, %and3A_76 : vector<16xi32>
      %sub3A_78 = arith.constant 11 : i32
      %sub3A_79 = vector.broadcast %sub3A_78 : i32 to vector<16xi32>
      %sub3A_80 = arith.subi %iota3A, %sub3A_79 : vector<16xi32>
      %and3A_81 = arith.constant 0 : i32
      %and3A_82 = vector.broadcast %and3A_81 : i32 to vector<16xi32>
      %and3A_83 = arith.andi %sub3A_80, %and3A_82 : vector<16xi32>
      %sub3A_84 = arith.constant 12 : i32
      %sub3A_85 = vector.broadcast %sub3A_84 : i32 to vector<16xi32>
      %sub3A_86 = arith.subi %iota3A, %sub3A_85 : vector<16xi32>
      %and3A_87 = arith.constant 0 : i32
      %and3A_88 = vector.broadcast %and3A_87 : i32 to vector<16xi32>
      %and3A_89 = arith.andi %sub3A_86, %and3A_88 : vector<16xi32>
      %sub3A_90 = arith.constant 13 : i32
      %sub3A_91 = vector.broadcast %sub3A_90 : i32 to vector<16xi32>
      %sub3A_92 = arith.subi %iota3A, %sub3A_91 : vector<16xi32>
      %and3A_93 = arith.constant 0 : i32
      %and3A_94 = vector.broadcast %and3A_93 : i32 to vector<16xi32>
      %and3A_95 = arith.andi %sub3A_92, %and3A_94 : vector<16xi32>
      %sub3A_96 = arith.constant 14 : i32
      %sub3A_97 = vector.broadcast %sub3A_96 : i32 to vector<16xi32>
      %sub3A_98 = arith.subi %iota3A, %sub3A_97 : vector<16xi32>
      %and3A_99 = arith.constant 0 : i32
      %and3A_100 = vector.broadcast %and3A_99 : i32 to vector<16xi32>
      %and3A_101 = arith.andi %sub3A_98, %and3A_100 : vector<16xi32>
      %sub3A_102 = arith.constant 15 : i32
      %sub3A_103 = vector.broadcast %sub3A_102 : i32 to vector<16xi32>
      %sub3A_104 = arith.subi %iota3A, %sub3A_103 : vector<16xi32>
      %and3A_105 = arith.constant 0 : i32
      %and3A_106 = vector.broadcast %and3A_105 : i32 to vector<16xi32>
      %and3A_107 = arith.andi %sub3A_104, %and3A_106 : vector<16xi32>
      %ge3A = arith.constant 0 : i32
      %ge3A_108 = vector.broadcast %ge3A : i32 to vector<16xi32>
      %ge3A_109 = arith.cmpi sge, %iota3A, %ge3A_108 : vector<16xi32>
      %lt3A_110 = arith.constant 1 : i32
      %lt3A_111 = vector.broadcast %lt3A_110 : i32 to vector<16xi32>
      %lt3A_112 = arith.cmpi slt, %iota3A, %lt3A_111 : vector<16xi32>
      %and3A_113 = arith.andi %ge3A_109, %lt3A_112 : vector<16xi1>
      %ge3A_114 = arith.constant 1 : i32
      %ge3A_115 = vector.broadcast %ge3A_114 : i32 to vector<16xi32>
      %ge3A_116 = arith.cmpi sge, %iota3A, %ge3A_115 : vector<16xi32>
      %lt3A_117 = arith.constant 2 : i32
      %lt3A_118 = vector.broadcast %lt3A_117 : i32 to vector<16xi32>
      %lt3A_119 = arith.cmpi slt, %iota3A, %lt3A_118 : vector<16xi32>
      %and3A_120 = arith.andi %ge3A_116, %lt3A_119 : vector<16xi1>
      %ge3A_121 = arith.constant 2 : i32
      %ge3A_122 = vector.broadcast %ge3A_121 : i32 to vector<16xi32>
      %ge3A_123 = arith.cmpi sge, %iota3A, %ge3A_122 : vector<16xi32>
      %lt3A_124 = arith.constant 3 : i32
      %lt3A_125 = vector.broadcast %lt3A_124 : i32 to vector<16xi32>
      %lt3A_126 = arith.cmpi slt, %iota3A, %lt3A_125 : vector<16xi32>
      %and3A_127 = arith.andi %ge3A_123, %lt3A_126 : vector<16xi1>
      %ge3A_128 = arith.constant 3 : i32
      %ge3A_129 = vector.broadcast %ge3A_128 : i32 to vector<16xi32>
      %ge3A_130 = arith.cmpi sge, %iota3A, %ge3A_129 : vector<16xi32>
      %lt3A_131 = arith.constant 4 : i32
      %lt3A_132 = vector.broadcast %lt3A_131 : i32 to vector<16xi32>
      %lt3A_133 = arith.cmpi slt, %iota3A, %lt3A_132 : vector<16xi32>
      %and3A_134 = arith.andi %ge3A_130, %lt3A_133 : vector<16xi1>
      %ge3A_135 = arith.constant 4 : i32
      %ge3A_136 = vector.broadcast %ge3A_135 : i32 to vector<16xi32>
      %ge3A_137 = arith.cmpi sge, %iota3A, %ge3A_136 : vector<16xi32>
      %lt3A_138 = arith.constant 5 : i32
      %lt3A_139 = vector.broadcast %lt3A_138 : i32 to vector<16xi32>
      %lt3A_140 = arith.cmpi slt, %iota3A, %lt3A_139 : vector<16xi32>
      %and3A_141 = arith.andi %ge3A_137, %lt3A_140 : vector<16xi1>
      %ge3A_142 = arith.constant 5 : i32
      %ge3A_143 = vector.broadcast %ge3A_142 : i32 to vector<16xi32>
      %ge3A_144 = arith.cmpi sge, %iota3A, %ge3A_143 : vector<16xi32>
      %lt3A_145 = arith.constant 6 : i32
      %lt3A_146 = vector.broadcast %lt3A_145 : i32 to vector<16xi32>
      %lt3A_147 = arith.cmpi slt, %iota3A, %lt3A_146 : vector<16xi32>
      %and3A_148 = arith.andi %ge3A_144, %lt3A_147 : vector<16xi1>
      %ge3A_149 = arith.constant 6 : i32
      %ge3A_150 = vector.broadcast %ge3A_149 : i32 to vector<16xi32>
      %ge3A_151 = arith.cmpi sge, %iota3A, %ge3A_150 : vector<16xi32>
      %lt3A_152 = arith.constant 7 : i32
      %lt3A_153 = vector.broadcast %lt3A_152 : i32 to vector<16xi32>
      %lt3A_154 = arith.cmpi slt, %iota3A, %lt3A_153 : vector<16xi32>
      %and3A_155 = arith.andi %ge3A_151, %lt3A_154 : vector<16xi1>
      %ge3A_156 = arith.constant 7 : i32
      %ge3A_157 = vector.broadcast %ge3A_156 : i32 to vector<16xi32>
      %ge3A_158 = arith.cmpi sge, %iota3A, %ge3A_157 : vector<16xi32>
      %lt3A_159 = arith.constant 8 : i32
      %lt3A_160 = vector.broadcast %lt3A_159 : i32 to vector<16xi32>
      %lt3A_161 = arith.cmpi slt, %iota3A, %lt3A_160 : vector<16xi32>
      %and3A_162 = arith.andi %ge3A_158, %lt3A_161 : vector<16xi1>
      %ge3A_163 = arith.constant 8 : i32
      %ge3A_164 = vector.broadcast %ge3A_163 : i32 to vector<16xi32>
      %ge3A_165 = arith.cmpi sge, %iota3A, %ge3A_164 : vector<16xi32>
      %lt3A_166 = arith.constant 9 : i32
      %lt3A_167 = vector.broadcast %lt3A_166 : i32 to vector<16xi32>
      %lt3A_168 = arith.cmpi slt, %iota3A, %lt3A_167 : vector<16xi32>
      %and3A_169 = arith.andi %ge3A_165, %lt3A_168 : vector<16xi1>
      %ge3A_170 = arith.constant 9 : i32
      %ge3A_171 = vector.broadcast %ge3A_170 : i32 to vector<16xi32>
      %ge3A_172 = arith.cmpi sge, %iota3A, %ge3A_171 : vector<16xi32>
      %lt3A_173 = arith.constant 10 : i32
      %lt3A_174 = vector.broadcast %lt3A_173 : i32 to vector<16xi32>
      %lt3A_175 = arith.cmpi slt, %iota3A, %lt3A_174 : vector<16xi32>
      %and3A_176 = arith.andi %ge3A_172, %lt3A_175 : vector<16xi1>
      %ge3A_177 = arith.constant 10 : i32
      %ge3A_178 = vector.broadcast %ge3A_177 : i32 to vector<16xi32>
      %ge3A_179 = arith.cmpi sge, %iota3A, %ge3A_178 : vector<16xi32>
      %lt3A_180 = arith.constant 11 : i32
      %lt3A_181 = vector.broadcast %lt3A_180 : i32 to vector<16xi32>
      %lt3A_182 = arith.cmpi slt, %iota3A, %lt3A_181 : vector<16xi32>
      %and3A_183 = arith.andi %ge3A_179, %lt3A_182 : vector<16xi1>
      %ge3A_184 = arith.constant 11 : i32
      %ge3A_185 = vector.broadcast %ge3A_184 : i32 to vector<16xi32>
      %ge3A_186 = arith.cmpi sge, %iota3A, %ge3A_185 : vector<16xi32>
      %lt3A_187 = arith.constant 12 : i32
      %lt3A_188 = vector.broadcast %lt3A_187 : i32 to vector<16xi32>
      %lt3A_189 = arith.cmpi slt, %iota3A, %lt3A_188 : vector<16xi32>
      %and3A_190 = arith.andi %ge3A_186, %lt3A_189 : vector<16xi1>
      %ge3A_191 = arith.constant 12 : i32
      %ge3A_192 = vector.broadcast %ge3A_191 : i32 to vector<16xi32>
      %ge3A_193 = arith.cmpi sge, %iota3A, %ge3A_192 : vector<16xi32>
      %lt3A_194 = arith.constant 13 : i32
      %lt3A_195 = vector.broadcast %lt3A_194 : i32 to vector<16xi32>
      %lt3A_196 = arith.cmpi slt, %iota3A, %lt3A_195 : vector<16xi32>
      %and3A_197 = arith.andi %ge3A_193, %lt3A_196 : vector<16xi1>
      %ge3A_198 = arith.constant 13 : i32
      %ge3A_199 = vector.broadcast %ge3A_198 : i32 to vector<16xi32>
      %ge3A_200 = arith.cmpi sge, %iota3A, %ge3A_199 : vector<16xi32>
      %lt3A_201 = arith.constant 14 : i32
      %lt3A_202 = vector.broadcast %lt3A_201 : i32 to vector<16xi32>
      %lt3A_203 = arith.cmpi slt, %iota3A, %lt3A_202 : vector<16xi32>
      %and3A_204 = arith.andi %ge3A_200, %lt3A_203 : vector<16xi1>
      %ge3A_205 = arith.constant 14 : i32
      %ge3A_206 = vector.broadcast %ge3A_205 : i32 to vector<16xi32>
      %ge3A_207 = arith.cmpi sge, %iota3A, %ge3A_206 : vector<16xi32>
      %lt3A_208 = arith.constant 15 : i32
      %lt3A_209 = vector.broadcast %lt3A_208 : i32 to vector<16xi32>
      %lt3A_210 = arith.cmpi slt, %iota3A, %lt3A_209 : vector<16xi32>
      %and3A_211 = arith.andi %ge3A_207, %lt3A_210 : vector<16xi1>
      %ge3A_212 = arith.constant 15 : i32
      %ge3A_213 = vector.broadcast %ge3A_212 : i32 to vector<16xi32>
      %ge3A_214 = arith.cmpi sge, %iota3A, %ge3A_213 : vector<16xi32>
      %lt3A_215 = arith.constant 16 : i32
      %lt3A_216 = vector.broadcast %lt3A_215 : i32 to vector<16xi32>
      %lt3A_217 = arith.cmpi slt, %iota3A, %lt3A_216 : vector<16xi32>
      %and3A_218 = arith.andi %ge3A_214, %lt3A_217 : vector<16xi1>
      %scan3A = arith.constant 0 : i32
      %scan3A_219 = arith.constant 64 : i32
      %scan3A_220 = arith.addi %scan3A, %scan3A_219 : i32
      %scan3A_221 = arith.constant 1 : i32
      scf.for %scan3A_225 = %scan3A to %scan3A_220 step %scan3A_221  : i32 {
        %mul3A_226 = arith.constant 16 : i32
        %mul3A_227 = arith.muli %scan3A_225, %mul3A_226 : i32
        %get3A = arith.index_cast %mul3A_227 : i32 to index
        %get3A_228 = tpu.vector_load %arg5[%get3A] {strides = array<i32>} : memref<1024xi32, #tpu.memory_space<vmem>>, vector<16xi32>,
        tpu.vector_store_idx %arg6[%and3A_17, %get3A_228], %broadcast_in_dim3A_13 masked %and3A_113 {add = true} : memref<1x4096xf32, #tpu.memory_space<vmem>>[vector<16xi32>, vector<16xi32>], vector<16xf32>, vector<16xi1>
        tpu.vector_store_idx %arg6[%and3A_23, %get3A_228], %broadcast_in_dim3A_13 masked %and3A_120 {add = true} : memref<1x4096xf32, #tpu.memory_space<vmem>>[vector<16xi32>, vector<16xi32>], vector<16xf32>, vector<16xi1>
        tpu.vector_store_idx %arg6[%and3A_29, %get3A_228], %broadcast_in_dim3A_13 masked %and3A_127 {add = true} : memref<1x4096xf32, #tpu.memory_space<vmem>>[vector<16xi32>, vector<16xi32>], vector<16xf32>, vector<16xi1>
        tpu.vector_store_idx %arg6[%and3A_35, %get3A_228], %broadcast_in_dim3A_13 masked %and3A_134 {add = true} : memref<1x4096xf32, #tpu.memory_space<vmem>>[vector<16xi32>, vector<16xi32>], vector<16xf32>, vector<16xi1>
        tpu.vector_store_idx %arg6[%and3A_41, %get3A_228], %broadcast_in_dim3A_13 masked %and3A_141 {add = true} : memref<1x4096xf32, #tpu.memory_space<vmem>>[vector<16xi32>, vector<16xi32>], vector<16xf32>, vector<16xi1>
        tpu.vector_store_idx %arg6[%and3A_47, %get3A_228], %broadcast_in_dim3A_13 masked %and3A_148 {add = true} : memref<1x4096xf32, #tpu.memory_space<vmem>>[vector<16xi32>, vector<16xi32>], vector<16xf32>, vector<16xi1>
        tpu.vector_store_idx %arg6[%and3A_53, %get3A_228], %broadcast_in_dim3A_13 masked %and3A_155 {add = true} : memref<1x4096xf32, #tpu.memory_space<vmem>>[vector<16xi32>, vector<16xi32>], vector<16xf32>, vector<16xi1>
        tpu.vector_store_idx %arg6[%and3A_59, %get3A_228], %broadcast_in_dim3A_13 masked %and3A_162 {add = true} : memref<1x4096xf32, #tpu.memory_space<vmem>>[vector<16xi32>, vector<16xi32>], vector<16xf32>, vector<16xi1>
        tpu.vector_store_idx %arg6[%and3A_65, %get3A_228], %broadcast_in_dim3A_13 masked %and3A_169 {add = true} : memref<1x4096xf32, #tpu.memory_space<vmem>>[vector<16xi32>, vector<16xi32>], vector<16xf32>, vector<16xi1>
        tpu.vector_store_idx %arg6[%and3A_71, %get3A_228], %broadcast_in_dim3A_13 masked %and3A_176 {add = true} : memref<1x4096xf32, #tpu.memory_space<vmem>>[vector<16xi32>, vector<16xi32>], vector<16xf32>, vector<16xi1>
        tpu.vector_store_idx %arg6[%and3A_77, %get3A_228], %broadcast_in_dim3A_13 masked %and3A_183 {add = true} : memref<1x4096xf32, #tpu.memory_space<vmem>>[vector<16xi32>, vector<16xi32>], vector<16xf32>, vector<16xi1>
        tpu.vector_store_idx %arg6[%and3A_83, %get3A_228], %broadcast_in_dim3A_13 masked %and3A_190 {add = true} : memref<1x4096xf32, #tpu.memory_space<vmem>>[vector<16xi32>, vector<16xi32>], vector<16xf32>, vector<16xi1>
        tpu.vector_store_idx %arg6[%and3A_89, %get3A_228], %broadcast_in_dim3A_13 masked %and3A_197 {add = true} : memref<1x4096xf32, #tpu.memory_space<vmem>>[vector<16xi32>, vector<16xi32>], vector<16xf32>, vector<16xi1>
        tpu.vector_store_idx %arg6[%and3A_95, %get3A_228], %broadcast_in_dim3A_13 masked %and3A_204 {add = true} : memref<1x4096xf32, #tpu.memory_space<vmem>>[vector<16xi32>, vector<16xi32>], vector<16xf32>, vector<16xi1>
        tpu.vector_store_idx %arg6[%and3A_101, %get3A_228], %broadcast_in_dim3A_13 masked %and3A_211 {add = true} : memref<1x4096xf32, #tpu.memory_space<vmem>>[vector<16xi32>, vector<16xi32>], vector<16xf32>, vector<16xi1>
        tpu.vector_store_idx %arg6[%and3A_107, %get3A_228], %broadcast_in_dim3A_13 masked %and3A_218 {add = true} : memref<1x4096xf32, #tpu.memory_space<vmem>>[vector<16xi32>, vector<16xi32>], vector<16xf32>, vector<16xi1>
      }
      %scan3A_222 = arith.constant 64 : i32
      %mul3A_223 = arith.constant 1 : i32
      %mul3A_224 = arith.muli %add3A, %mul3A_223 : i32
      "tpu.region"() ({
        %run_scoped3A = tpu.sem_alloc : memref<!tpu.dma_semaphore, #tpu.memory_space<semaphore_mem>>
        %dma_start3A_225 = arith.constant 0 : i32
        %dma_start3A_226 = tpu.memref_slice %arg4[%mul3A_224, %dma_start3A_225] : memref<16x4096xf32, #tpu.memory_space<hbm>> -> memref<1x4096xf32, #tpu.memory_space<hbm>>
        %dma_start3A_227 = arith.constant 0 : i32
        %dma_start3A_228 = tpu.memref_slice %arg4[%mul3A_224, %dma_start3A_227] : memref<16x4096xf32, #tpu.memory_space<hbm>> -> memref<1x4096xf32, #tpu.memory_space<hbm>>
        tpu.enqueue_dma source(%arg6 : memref<1x4096xf32, #tpu.memory_space<vmem>>) target(%dma_start3A_228 : memref<1x4096xf32, #tpu.memory_space<hbm>>) target_semaphore(%run_scoped3A : memref<!tpu.dma_semaphore, #tpu.memory_space<semaphore_mem>>)
        %dma_wait3A_229 = arith.constant 0 : i32
        %dma_wait3A_230 = tpu.memref_slice %arg4[%mul3A_224, %dma_wait3A_229] : memref<16x4096xf32, #tpu.memory_space<hbm>> -> memref<1x4096xf32, #tpu.memory_space<hbm>>
        %dma_wait3A_231 = arith.constant 0 : i32
        %dma_wait3A_232 = tpu.memref_slice %arg4[%mul3A_224, %dma_wait3A_231] : memref<16x4096xf32, #tpu.memory_space<hbm>> -> memref<1x4096xf32, #tpu.memory_space<hbm>>
        tpu.wait_dma2 semaphore(%run_scoped3A : memref<!tpu.dma_semaphore, #tpu.memory_space<semaphore_mem>>) src(%arg6 : memref<1x4096xf32, #tpu.memory_space<vmem>>) dst(%dma_wait3A_232 : memref<1x4096xf32, #tpu.memory_space<hbm>>)
        tpu.yield
      }) : () -> ()
    } else {
    }
    return
  }
}

module attributes {stable_mosaic.version = 14 : i64} {
  func.func @_main_body(%arg0: i32, %arg1: memref<16x512xf32, #tpu.memory_space<vmem>>, %arg2: memref<200x512xf32, #tpu.memory_space<vmem>>, %arg3: memref<512x4096xf32, #tpu.memory_space<vmem>>, %arg4: memref<4096x200xf32, #tpu.memory_space<vmem>>, %arg5: memref<20x200xf32, #tpu.memory_space<vmem>>, %arg6: memref<1x20xf32, #tpu.memory_space<vmem>>, %arg7: memref<1xf32, #tpu.memory_space<vmem>>, %arg8: memref<50x200xf32, #tpu.memory_space<vmem>>, %arg9: memref<50xf32, #tpu.memory_space<vmem>>, %arg10: memref<200x50xf32, #tpu.memory_space<vmem>>, %arg11: memref<200xf32, #tpu.memory_space<vmem>>, %arg12: memref<4096xf32, #tpu.memory_space<vmem>>, %arg13: memref<16x4096xf32, #tpu.memory_space<vmem>>, %arg14: memref<16x4096xf32, #tpu.memory_space<vmem>>, %arg15: memref<320x200xf32, #tpu.memory_space<vmem>>, %arg16: memref<16x20xf32, #tpu.memory_space<vmem>>) attributes {dimension_semantics = [#tpu.dimension_semantics<arbitrary>], iteration_bounds = array<i64: 8>, scalar_prefetch = 0 : i64, scratch_operands = 3 : i64, tpu.core_type = #tpu.core_type<tc>, window_params = [{transform_indices = @transform_0, window_bounds = array<i64: 16, 512>}, {transform_indices = @transform_1, window_bounds = array<i64: 200, 512>}, {transform_indices = @transform_2, window_bounds = array<i64: 512, 4096>}, {pipeline_mode = #tpu.pipeline_mode<synchronous>, transform_indices = @transform_3, window_bounds = array<i64: 4096, 200>}, {pipeline_mode = #tpu.pipeline_mode<synchronous>, transform_indices = @transform_4, window_bounds = array<i64: 20, 200>}, {pipeline_mode = #tpu.pipeline_mode<synchronous>, transform_indices = @transform_5, window_bounds = array<i64: 1, 20>}, {pipeline_mode = #tpu.pipeline_mode<synchronous>, transform_indices = @transform_6, window_bounds = array<i64: 1>}, {pipeline_mode = #tpu.pipeline_mode<synchronous>, transform_indices = @transform_7, window_bounds = array<i64: 50, 200>}, {pipeline_mode = #tpu.pipeline_mode<synchronous>, transform_indices = @transform_8, window_bounds = array<i64: 50>}, {pipeline_mode = #tpu.pipeline_mode<synchronous>, transform_indices = @transform_9, window_bounds = array<i64: 200, 50>}, {pipeline_mode = #tpu.pipeline_mode<synchronous>, transform_indices = @transform_10, window_bounds = array<i64: 200>}, {pipeline_mode = #tpu.pipeline_mode<synchronous>, transform_indices = @transform_11, window_bounds = array<i64: 4096>}, {pipeline_mode = #tpu.pipeline_mode<synchronous>, transform_indices = @transform_12, window_bounds = array<i64: 16, 4096>}]} {
    %get3A = arith.constant 0 : index
    %get3A_0 = arith.constant 0 : index
    %get3A_1 = vector.load %arg1[%get3A, %get3A_0] : memref<16x512xf32, #tpu.memory_space<vmem>>, vector<16x512xf32>
    %get3A_2 = arith.constant 0 : index
    %get3A_3 = arith.constant 0 : index
    %get3A_4 = vector.load %arg2[%get3A_2, %get3A_3] : memref<200x512xf32, #tpu.memory_space<vmem>>, vector<200x512xf32>
    %get3A_5 = arith.constant 0 : index
    %get3A_6 = arith.constant 0 : index
    %get3A_7 = vector.load %arg5[%get3A_5, %get3A_6] : memref<20x200xf32, #tpu.memory_space<vmem>>, vector<20x200xf32>
    %dot_general3A = arith.constant dense<0.000000e+00> : vector<20x512xf32>
    %dot_general3A_8 = tpu.matmul %get3A_7, %get3A_4, %dot_general3A {dimension_numbers = #tpu.dot_dimension_numbers<[1], [0], [0], [1], [0, 0, 1, 1], [], []>, transpose_lhs_hint = false} : vector<20x200xf32>, vector<200x512xf32>, vector<20x512xf32> -> vector<20x512xf32>
    %tanh3A = math.tanh %dot_general3A_8 : vector<20x512xf32>
    %exp3A = math.exp %tanh3A : vector<20x512xf32>
    %eq3A = arith.constant 0 : i32
    %eq3A_9 = arith.cmpi eq, %arg0, %eq3A : i32
    %convert_element_type3A = arith.extui %eq3A_9 : i1 to i32
    %cond3A = arith.constant 0 : i32
    %cond3A_10 = arith.cmpi ne, %convert_element_type3A, %cond3A : i32
    scf.if %cond3A_10 {
      %broadcast_in_dim3A_174 = arith.constant 0.000000e+00 : f32
      %broadcast_in_dim3A_175 = vector.broadcast %broadcast_in_dim3A_174 : f32 to vector<16x4096xf32>
      %swap3A_176 = arith.constant 0 : index
      %swap3A_177 = arith.constant 0 : index
      %swap3A_178 = vector.load %arg14[%swap3A_176, %swap3A_177] : memref<16x4096xf32, #tpu.memory_space<vmem>>, vector<16x4096xf32>
      tpu.vector_store %arg14[%swap3A_176, %swap3A_177], %broadcast_in_dim3A_175 {strides = array<i32>} : memref<16x4096xf32, #tpu.memory_space<vmem>>, vector<16x4096xf32>,
      %broadcast_in_dim3A_179 = arith.constant 0.000000e+00 : f32
      %broadcast_in_dim3A_180 = vector.broadcast %broadcast_in_dim3A_179 : f32 to vector<320x200xf32>
      %swap3A_181 = arith.constant 0 : index
      %swap3A_182 = arith.constant 0 : index
      %swap3A_183 = vector.load %arg15[%swap3A_181, %swap3A_182] : memref<320x200xf32, #tpu.memory_space<vmem>>, vector<320x200xf32>
      tpu.vector_store %arg15[%swap3A_181, %swap3A_182], %broadcast_in_dim3A_180 {strides = array<i32>} : memref<320x200xf32, #tpu.memory_space<vmem>>, vector<320x200xf32>,
      %broadcast_in_dim3A_184 = arith.constant 0.000000e+00 : f32
      %broadcast_in_dim3A_185 = vector.broadcast %broadcast_in_dim3A_184 : f32 to vector<16x20xf32>
      %swap3A_186 = arith.constant 0 : index
      %swap3A_187 = arith.constant 0 : index
      %swap3A_188 = vector.load %arg16[%swap3A_186, %swap3A_187] : memref<16x20xf32, #tpu.memory_space<vmem>>, vector<16x20xf32>
      tpu.vector_store %arg16[%swap3A_186, %swap3A_187], %broadcast_in_dim3A_185 {strides = array<i32>} : memref<16x20xf32, #tpu.memory_space<vmem>>, vector<16x20xf32>,
    } else {
    }
    %get3A_11 = arith.constant 0 : index
    %get3A_12 = arith.constant 0 : index
    %get3A_13 = vector.load %arg16[%get3A_11, %get3A_12] : memref<16x20xf32, #tpu.memory_space<vmem>>, vector<16x20xf32>
    %dot_general3A_14 = arith.constant dense<0.000000e+00> : vector<16x20xf32>
    %dot_general3A_15 = tpu.matmul %get3A_1, %exp3A, %dot_general3A_14 {dimension_numbers = #tpu.dot_dimension_numbers<[1], [1], [0], [0], [0, 0, 1, 0], [], []>, transpose_lhs_hint = false} : vector<16x512xf32>, vector<20x512xf32>, vector<16x20xf32> -> vector<16x20xf32>
    %add3A = arith.addf %get3A_13, %dot_general3A_15 : vector<16x20xf32>
    %swap3A = arith.constant 0 : index
    %swap3A_16 = arith.constant 0 : index
    %swap3A_17 = vector.load %arg16[%swap3A, %swap3A_16] : memref<16x20xf32, #tpu.memory_space<vmem>>, vector<16x20xf32>
    tpu.vector_store %arg16[%swap3A, %swap3A_16], %add3A {strides = array<i32>} : memref<16x20xf32, #tpu.memory_space<vmem>>, vector<16x20xf32>,
    %iota3A = tpu.iota {dimensions = array<i32: 0>} : vector<320x16xi32>
    %iota3A_18 = tpu.iota {dimensions = array<i32: 1>} : vector<320x16xi32>
    %jit3A = arith.constant 20 : i32
    %div3A = vector.broadcast %jit3A : i32 to vector<320x16xi32>
    %div3A_19 = arith.divsi %iota3A, %div3A : vector<320x16xi32>
    %sign3A = arith.constant 0 : i32
    %sign3A_20 = vector.broadcast %sign3A : i32 to vector<320x16xi32>
    %sign3A_21 = arith.cmpi sgt, %iota3A, %sign3A_20 : vector<320x16xi32>
    %sign3A_22 = arith.extui %sign3A_21 : vector<320x16xi1> to vector<320x16xi32>
    %sign3A_23 = arith.constant 0 : i32
    %sign3A_24 = vector.broadcast %sign3A_23 : i32 to vector<320x16xi32>
    %sign3A_25 = arith.cmpi slt, %iota3A, %sign3A_24 : vector<320x16xi32>
    %sign3A_26 = arith.extui %sign3A_25 : vector<320x16xi1> to vector<320x16xi32>
    %sign3A_27 = arith.subi %sign3A_22, %sign3A_26 : vector<320x16xi32>
    %sign3A_28 = arith.constant 0 : i32
    %sign3A_29 = arith.cmpi sgt, %jit3A, %sign3A_28 : i32
    %sign3A_30 = arith.extui %sign3A_29 : i1 to i32
    %sign3A_31 = arith.constant 0 : i32
    %sign3A_32 = arith.cmpi slt, %jit3A, %sign3A_31 : i32
    %sign3A_33 = arith.extui %sign3A_32 : i1 to i32
    %sign3A_34 = arith.subi %sign3A_30, %sign3A_33 : i32
    %ne3A = vector.broadcast %sign3A_34 : i32 to vector<320x16xi32>
    %ne3A_35 = arith.cmpi ne, %sign3A_27, %ne3A : vector<320x16xi32>
    %rem3A = vector.broadcast %jit3A : i32 to vector<320x16xi32>
    %rem3A_36 = arith.remsi %iota3A, %rem3A : vector<320x16xi32>
    %ne3A_37 = arith.constant 0 : i32
    %ne3A_38 = vector.broadcast %ne3A_37 : i32 to vector<320x16xi32>
    %ne3A_39 = arith.cmpi ne, %rem3A_36, %ne3A_38 : vector<320x16xi32>
    %and3A = arith.andi %ne3A_35, %ne3A_39 : vector<320x16xi1>
    %sub3A = arith.constant 1 : i32
    %sub3A_40 = vector.broadcast %sub3A : i32 to vector<320x16xi32>
    %sub3A_41 = arith.subi %div3A_19, %sub3A_40 : vector<320x16xi32>
    %select_n3A = arith.select %and3A, %sub3A_41, %div3A_19 : vector<320x16xi1>, vector<320x16xi32>
    %jit3A_42 = arith.constant 1 : i32
    %div3A_43 = vector.broadcast %jit3A_42 : i32 to vector<320x16xi32>
    %div3A_44 = arith.divsi %iota3A_18, %div3A_43 : vector<320x16xi32>
    %sign3A_45 = arith.constant 0 : i32
    %sign3A_46 = vector.broadcast %sign3A_45 : i32 to vector<320x16xi32>
    %sign3A_47 = arith.cmpi sgt, %iota3A_18, %sign3A_46 : vector<320x16xi32>
    %sign3A_48 = arith.extui %sign3A_47 : vector<320x16xi1> to vector<320x16xi32>
    %sign3A_49 = arith.constant 0 : i32
    %sign3A_50 = vector.broadcast %sign3A_49 : i32 to vector<320x16xi32>
    %sign3A_51 = arith.cmpi slt, %iota3A_18, %sign3A_50 : vector<320x16xi32>
    %sign3A_52 = arith.extui %sign3A_51 : vector<320x16xi1> to vector<320x16xi32>
    %sign3A_53 = arith.subi %sign3A_48, %sign3A_52 : vector<320x16xi32>
    %sign3A_54 = arith.constant 0 : i32
    %sign3A_55 = arith.cmpi sgt, %jit3A_42, %sign3A_54 : i32
    %sign3A_56 = arith.extui %sign3A_55 : i1 to i32
    %sign3A_57 = arith.constant 0 : i32
    %sign3A_58 = arith.cmpi slt, %jit3A_42, %sign3A_57 : i32
    %sign3A_59 = arith.extui %sign3A_58 : i1 to i32
    %sign3A_60 = arith.subi %sign3A_56, %sign3A_59 : i32
    %ne3A_61 = vector.broadcast %sign3A_60 : i32 to vector<320x16xi32>
    %ne3A_62 = arith.cmpi ne, %sign3A_53, %ne3A_61 : vector<320x16xi32>
    %rem3A_63 = vector.broadcast %jit3A_42 : i32 to vector<320x16xi32>
    %rem3A_64 = arith.remsi %iota3A_18, %rem3A_63 : vector<320x16xi32>
    %ne3A_65 = arith.constant 0 : i32
    %ne3A_66 = vector.broadcast %ne3A_65 : i32 to vector<320x16xi32>
    %ne3A_67 = arith.cmpi ne, %rem3A_64, %ne3A_66 : vector<320x16xi32>
    %and3A_68 = arith.andi %ne3A_62, %ne3A_67 : vector<320x16xi1>
    %sub3A_69 = arith.constant 1 : i32
    %sub3A_70 = vector.broadcast %sub3A_69 : i32 to vector<320x16xi32>
    %sub3A_71 = arith.subi %div3A_44, %sub3A_70 : vector<320x16xi32>
    %select_n3A_72 = arith.select %and3A_68, %sub3A_71, %div3A_44 : vector<320x16xi1>, vector<320x16xi32>
    %eq3A_73 = arith.cmpi eq, %select_n3A, %select_n3A_72 : vector<320x16xi32>
    %jit3A_74 = arith.constant 1.000000e+00 : f32
    %jit3A_75 = arith.constant 0.000000e+00 : f32
    %broadcast_in_dim3A = vector.broadcast %jit3A_74 : f32 to vector<320x16xf32>
    %broadcast_in_dim3A_76 = vector.broadcast %jit3A_75 : f32 to vector<320x16xf32>
    %select_n3A_77 = arith.select %eq3A_73, %broadcast_in_dim3A, %broadcast_in_dim3A_76 : vector<320x16xi1>, vector<320x16xf32>
    %iota3A_78 = tpu.iota {dimensions = array<i32: 0>} : vector<320x20xi32>
    %iota3A_79 = tpu.iota {dimensions = array<i32: 1>} : vector<320x20xi32>
    %jit3A_80 = arith.constant 20 : i32
    %eq3A_81 = arith.constant 0 : i32
    %eq3A_82 = arith.cmpi eq, %jit3A_80, %eq3A_81 : i32
    %jit3A_83 = arith.constant 1 : i32
    %select_n3A_84 = arith.select %eq3A_82, %jit3A_83, %jit3A_80 : i32
    %rem3A_85 = vector.broadcast %select_n3A_84 : i32 to vector<320x20xi32>
    %rem3A_86 = arith.remsi %iota3A_78, %rem3A_85 : vector<320x20xi32>
    %ne3A_87 = arith.constant 0 : i32
    %ne3A_88 = vector.broadcast %ne3A_87 : i32 to vector<320x20xi32>
    %ne3A_89 = arith.cmpi ne, %rem3A_86, %ne3A_88 : vector<320x20xi32>
    %lt3A = arith.constant 0 : i32
    %lt3A_90 = vector.broadcast %lt3A : i32 to vector<320x20xi32>
    %lt3A_91 = arith.cmpi slt, %rem3A_86, %lt3A_90 : vector<320x20xi32>
    %lt3A_92 = arith.constant 0 : i32
    %lt3A_93 = arith.cmpi slt, %select_n3A_84, %lt3A_92 : i32
    %ne3A_94 = vector.broadcast %lt3A_93 : i1 to vector<320x20xi1>
    %ne3A_95 = vector.broadcast %ne3A_94 : vector<320x20xi1> to vector<320x20xi1>
    %ne3A_96 = arith.xori %lt3A_91, %ne3A_95 : vector<320x20xi1>
    %and3A_97 = arith.andi %ne3A_96, %ne3A_89 : vector<320x20xi1>
    %add3A_98 = vector.broadcast %select_n3A_84 : i32 to vector<320x20xi32>
    %add3A_99 = arith.addi %rem3A_86, %add3A_98 : vector<320x20xi32>
    %select_n3A_100 = arith.select %and3A_97, %add3A_99, %rem3A_86 : vector<320x20xi1>, vector<320x20xi32>
    %jit3A_101 = arith.constant 1 : i32
    %div3A_102 = vector.broadcast %jit3A_101 : i32 to vector<320x20xi32>
    %div3A_103 = arith.divsi %iota3A_79, %div3A_102 : vector<320x20xi32>
    %sign3A_104 = arith.constant 0 : i32
    %sign3A_105 = vector.broadcast %sign3A_104 : i32 to vector<320x20xi32>
    %sign3A_106 = arith.cmpi sgt, %iota3A_79, %sign3A_105 : vector<320x20xi32>
    %sign3A_107 = arith.extui %sign3A_106 : vector<320x20xi1> to vector<320x20xi32>
    %sign3A_108 = arith.constant 0 : i32
    %sign3A_109 = vector.broadcast %sign3A_108 : i32 to vector<320x20xi32>
    %sign3A_110 = arith.cmpi slt, %iota3A_79, %sign3A_109 : vector<320x20xi32>
    %sign3A_111 = arith.extui %sign3A_110 : vector<320x20xi1> to vector<320x20xi32>
    %sign3A_112 = arith.subi %sign3A_107, %sign3A_111 : vector<320x20xi32>
    %sign3A_113 = arith.constant 0 : i32
    %sign3A_114 = arith.cmpi sgt, %jit3A_101, %sign3A_113 : i32
    %sign3A_115 = arith.extui %sign3A_114 : i1 to i32
    %sign3A_116 = arith.constant 0 : i32
    %sign3A_117 = arith.cmpi slt, %jit3A_101, %sign3A_116 : i32
    %sign3A_118 = arith.extui %sign3A_117 : i1 to i32
    %sign3A_119 = arith.subi %sign3A_115, %sign3A_118 : i32
    %ne3A_120 = vector.broadcast %sign3A_119 : i32 to vector<320x20xi32>
    %ne3A_121 = arith.cmpi ne, %sign3A_112, %ne3A_120 : vector<320x20xi32>
    %rem3A_122 = vector.broadcast %jit3A_101 : i32 to vector<320x20xi32>
    %rem3A_123 = arith.remsi %iota3A_79, %rem3A_122 : vector<320x20xi32>
    %ne3A_124 = arith.constant 0 : i32
    %ne3A_125 = vector.broadcast %ne3A_124 : i32 to vector<320x20xi32>
    %ne3A_126 = arith.cmpi ne, %rem3A_123, %ne3A_125 : vector<320x20xi32>
    %and3A_127 = arith.andi %ne3A_121, %ne3A_126 : vector<320x20xi1>
    %sub3A_128 = arith.constant 1 : i32
    %sub3A_129 = vector.broadcast %sub3A_128 : i32 to vector<320x20xi32>
    %sub3A_130 = arith.subi %div3A_103, %sub3A_129 : vector<320x20xi32>
    %select_n3A_131 = arith.select %and3A_127, %sub3A_130, %div3A_103 : vector<320x20xi1>, vector<320x20xi32>
    %eq3A_132 = arith.cmpi eq, %select_n3A_100, %select_n3A_131 : vector<320x20xi32>
    %jit3A_133 = arith.constant 1.000000e+00 : f32
    %jit3A_134 = arith.constant 0.000000e+00 : f32
    %broadcast_in_dim3A_135 = vector.broadcast %jit3A_133 : f32 to vector<320x20xf32>
    %broadcast_in_dim3A_136 = vector.broadcast %jit3A_134 : f32 to vector<320x20xf32>
    %select_n3A_137 = arith.select %eq3A_132, %broadcast_in_dim3A_135, %broadcast_in_dim3A_136 : vector<320x20xi1>, vector<320x20xf32>
    %dot_general3A_138 = arith.constant dense<0.000000e+00> : vector<320x512xf32>
    %dot_general3A_139 = tpu.matmul %select_n3A_77, %get3A_1, %dot_general3A_138 {dimension_numbers = #tpu.dot_dimension_numbers<[1], [0], [0], [1], [0, 0, 1, 1], [], []>, transpose_lhs_hint = false} : vector<320x16xf32>, vector<16x512xf32>, vector<320x512xf32> -> vector<320x512xf32>
    %dot_general3A_140 = arith.constant dense<0.000000e+00> : vector<320x512xf32>
    %dot_general3A_141 = tpu.matmul %select_n3A_137, %exp3A, %dot_general3A_140 {dimension_numbers = #tpu.dot_dimension_numbers<[1], [0], [0], [1], [0, 0, 1, 1], [], []>, transpose_lhs_hint = false} : vector<320x20xf32>, vector<20x512xf32>, vector<320x512xf32> -> vector<320x512xf32>
    %mul3A = arith.mulf %dot_general3A_139, %dot_general3A_141 : vector<320x512xf32>
    %get3A_142 = arith.constant 0 : index
    %get3A_143 = arith.constant 0 : index
    %get3A_144 = vector.load %arg15[%get3A_142, %get3A_143] : memref<320x200xf32, #tpu.memory_space<vmem>>, vector<320x200xf32>
    %dot_general3A_145 = arith.constant dense<0.000000e+00> : vector<320x200xf32>
    %dot_general3A_146 = tpu.matmul %mul3A, %get3A_4, %dot_general3A_145 {dimension_numbers = #tpu.dot_dimension_numbers<[1], [1], [0], [0], [0, 0, 1, 0], [], []>, transpose_lhs_hint = false} : vector<320x512xf32>, vector<200x512xf32>, vector<320x200xf32> -> vector<320x200xf32>
    %add3A_147 = arith.addf %get3A_144, %dot_general3A_146 : vector<320x200xf32>
    %swap3A_148 = arith.constant 0 : index
    %swap3A_149 = arith.constant 0 : index
    %swap3A_150 = vector.load %arg15[%swap3A_148, %swap3A_149] : memref<320x200xf32, #tpu.memory_space<vmem>>, vector<320x200xf32>
    tpu.vector_store %arg15[%swap3A_148, %swap3A_149], %add3A_147 {strides = array<i32>} : memref<320x200xf32, #tpu.memory_space<vmem>>, vector<320x200xf32>,
    %get3A_151 = arith.constant 0 : index
    %get3A_152 = arith.constant 0 : index
    %get3A_153 = vector.load %arg4[%get3A_151, %get3A_152] : memref<4096x200xf32, #tpu.memory_space<vmem>>, vector<4096x200xf32>
    %dot_general3A_154 = arith.constant dense<0.000000e+00> : vector<512x4096xf32>
    %dot_general3A_155 = tpu.matmul %get3A_4, %get3A_153, %dot_general3A_154 {dimension_numbers = #tpu.dot_dimension_numbers<[0], [1], [1], [0], [0, 1, 1, 0], [], []>, transpose_lhs_hint = false} : vector<200x512xf32>, vector<4096x200xf32>, vector<512x4096xf32> -> vector<512x4096xf32>
    %get3A_156 = arith.constant 0 : index
    %get3A_157 = arith.constant 0 : index
    %get3A_158 = vector.load %arg3[%get3A_156, %get3A_157] : memref<512x4096xf32, #tpu.memory_space<vmem>>, vector<512x4096xf32>
    %mul3A_159 = arith.mulf %dot_general3A_155, %get3A_158 : vector<512x4096xf32>
    %get3A_160 = arith.constant 0 : index
    %get3A_161 = arith.constant 0 : index
    %get3A_162 = vector.load %arg14[%get3A_160, %get3A_161] : memref<16x4096xf32, #tpu.memory_space<vmem>>, vector<16x4096xf32>
    %dot_general3A_163 = arith.constant dense<0.000000e+00> : vector<16x4096xf32>
    %dot_general3A_164 = tpu.matmul %get3A_1, %mul3A_159, %dot_general3A_163 {dimension_numbers = #tpu.dot_dimension_numbers<[1], [0], [0], [1], [0, 0, 1, 1], [], []>, transpose_lhs_hint = false} : vector<16x512xf32>, vector<512x4096xf32>, vector<16x4096xf32> -> vector<16x4096xf32>
    %add3A_165 = arith.addf %get3A_162, %dot_general3A_164 : vector<16x4096xf32>
    %swap3A_166 = arith.constant 0 : index
    %swap3A_167 = arith.constant 0 : index
    %swap3A_168 = vector.load %arg14[%swap3A_166, %swap3A_167] : memref<16x4096xf32, #tpu.memory_space<vmem>>, vector<16x4096xf32>
    tpu.vector_store %arg14[%swap3A_166, %swap3A_167], %add3A_165 {strides = array<i32>} : memref<16x4096xf32, #tpu.memory_space<vmem>>, vector<16x4096xf32>,
    %eq3A_169 = arith.constant 7 : i32
    %eq3A_170 = arith.cmpi eq, %arg0, %eq3A_169 : i32
    %convert_element_type3A_171 = arith.extui %eq3A_170 : i1 to i32
    %cond3A_172 = arith.constant 0 : i32
    %cond3A_173 = arith.cmpi ne, %convert_element_type3A_171, %cond3A_172 : i32
    scf.if %cond3A_173 {
      %get3A_174 = arith.constant 0 : index
      %get3A_175 = arith.constant 0 : index
      %get3A_176 = vector.load %arg15[%get3A_174, %get3A_175] : memref<320x200xf32, #tpu.memory_space<vmem>>, vector<320x200xf32>
      %reshape3A = vector.shape_cast %get3A_176 : vector<320x200xf32> to vector<16x20x200xf32>
      %get3A_177 = arith.constant 0 : index
      %get3A_178 = arith.constant 0 : index
      %get3A_179 = vector.load %arg16[%get3A_177, %get3A_178] : memref<16x20xf32, #tpu.memory_space<vmem>>, vector<16x20xf32>
      %broadcast_in_dim3A_180 = vector.shape_cast %get3A_179 : vector<16x20xf32> to vector<16x20x1xf32>
      %div3A_181 = vector.broadcast %broadcast_in_dim3A_180 : vector<16x20x1xf32> to vector<16x20x200xf32>
      %div3A_182 = arith.divf %reshape3A, %div3A_181 : vector<16x20x200xf32>
      %get3A_183 = arith.constant 0 : index
      %get3A_184 = arith.constant 0 : index
      %get3A_185 = vector.load %arg6[%get3A_183, %get3A_184] : memref<1x20xf32, #tpu.memory_space<vmem>>, vector<1x20xf32>
      %squeeze3A = vector.shape_cast %get3A_185 : vector<1x20xf32> to vector<20xf32>
      %broadcast_in_dim3A_186 = vector.shape_cast %squeeze3A : vector<20xf32> to vector<1x20x1xf32>
      %mul3A_187 = vector.broadcast %broadcast_in_dim3A_186 : vector<1x20x1xf32> to vector<16x20x200xf32>
      %mul3A_188 = arith.mulf %div3A_182, %mul3A_187 : vector<16x20x200xf32>
      %reduce_sum3A = arith.constant dense<0.000000e+00> : vector<16x200xf32>
      %reduce_sum3A_189 = vector.multi_reduction <add>, %mul3A_188, %reduce_sum3A [1] : vector<16x20x200xf32> to vector<16x200xf32>
      %get3A_190 = arith.constant 0 : index
      %get3A_191 = vector.load %arg7[%get3A_190] : memref<1xf32, #tpu.memory_space<vmem>>, vector<1xf32>
      %get3A_192 = vector.extract %get3A_191[0] : f32 from vector<1xf32>
      %add3A_193 = vector.broadcast %get3A_192 : f32 to vector<16x200xf32>
      %add3A_194 = arith.addf %reduce_sum3A_189, %add3A_193 : vector<16x200xf32>
      %tanh3A_195 = math.tanh %add3A_194 : vector<16x200xf32>
      %get3A_196 = arith.constant 0 : index
      %get3A_197 = arith.constant 0 : index
      %get3A_198 = vector.load %arg8[%get3A_196, %get3A_197] : memref<50x200xf32, #tpu.memory_space<vmem>>, vector<50x200xf32>
      %dot_general3A_199 = arith.constant dense<0.000000e+00> : vector<16x50xf32>
      %dot_general3A_200 = tpu.matmul %tanh3A_195, %get3A_198, %dot_general3A_199 {dimension_numbers = #tpu.dot_dimension_numbers<[1], [1], [0], [0], [0, 0, 1, 0], [], []>, transpose_lhs_hint = false} : vector<16x200xf32>, vector<50x200xf32>, vector<16x50xf32> -> vector<16x50xf32>
      %get3A_201 = arith.constant 0 : index
      %get3A_202 = vector.load %arg9[%get3A_201] : memref<50xf32, #tpu.memory_space<vmem>>, vector<50xf32>
      %broadcast_in_dim3A_203 = vector.shape_cast %get3A_202 : vector<50xf32> to vector<1x50xf32>
      %add3A_204 = vector.broadcast %broadcast_in_dim3A_203 : vector<1x50xf32> to vector<16x50xf32>
      %add3A_205 = arith.addf %dot_general3A_200, %add3A_204 : vector<16x50xf32>
      %tanh3A_206 = math.tanh %add3A_205 : vector<16x50xf32>
      %get3A_207 = arith.constant 0 : index
      %get3A_208 = arith.constant 0 : index
      %get3A_209 = vector.load %arg10[%get3A_207, %get3A_208] : memref<200x50xf32, #tpu.memory_space<vmem>>, vector<200x50xf32>
      %dot_general3A_210 = arith.constant dense<0.000000e+00> : vector<16x200xf32>
      %dot_general3A_211 = tpu.matmul %tanh3A_206, %get3A_209, %dot_general3A_210 {dimension_numbers = #tpu.dot_dimension_numbers<[1], [1], [0], [0], [0, 0, 1, 0], [], []>, transpose_lhs_hint = false} : vector<16x50xf32>, vector<200x50xf32>, vector<16x200xf32> -> vector<16x200xf32>
      %get3A_212 = arith.constant 0 : index
      %get3A_213 = vector.load %arg11[%get3A_212] : memref<200xf32, #tpu.memory_space<vmem>>, vector<200xf32>
      %broadcast_in_dim3A_214 = vector.shape_cast %get3A_213 : vector<200xf32> to vector<1x200xf32>
      %add3A_215 = vector.broadcast %broadcast_in_dim3A_214 : vector<1x200xf32> to vector<16x200xf32>
      %add3A_216 = arith.addf %dot_general3A_211, %add3A_215 : vector<16x200xf32>
      %tanh3A_217 = math.tanh %add3A_216 : vector<16x200xf32>
      %get3A_218 = arith.constant 0 : index
      %get3A_219 = arith.constant 0 : index
      %get3A_220 = vector.load %arg4[%get3A_218, %get3A_219] : memref<4096x200xf32, #tpu.memory_space<vmem>>, vector<4096x200xf32>
      %dot_general3A_221 = arith.constant dense<0.000000e+00> : vector<16x4096xf32>
      %dot_general3A_222 = tpu.matmul %tanh3A_217, %get3A_220, %dot_general3A_221 {dimension_numbers = #tpu.dot_dimension_numbers<[1], [1], [0], [0], [0, 0, 1, 0], [], []>, transpose_lhs_hint = false} : vector<16x200xf32>, vector<4096x200xf32>, vector<16x4096xf32> -> vector<16x4096xf32>
      %get3A_223 = arith.constant 0 : index
      %get3A_224 = vector.load %arg12[%get3A_223] : memref<4096xf32, #tpu.memory_space<vmem>>, vector<4096xf32>
      %broadcast_in_dim3A_225 = vector.shape_cast %get3A_224 : vector<4096xf32> to vector<1x4096xf32>
      %add3A_226 = vector.broadcast %broadcast_in_dim3A_225 : vector<1x4096xf32> to vector<16x4096xf32>
      %add3A_227 = arith.addf %dot_general3A_222, %add3A_226 : vector<16x4096xf32>
      %get3A_228 = arith.constant 0 : index
      %get3A_229 = arith.constant 0 : index
      %get3A_230 = vector.load %arg14[%get3A_228, %get3A_229] : memref<16x4096xf32, #tpu.memory_space<vmem>>, vector<16x4096xf32>
      %add3A_231 = arith.addf %add3A_227, %get3A_230 : vector<16x4096xf32>
      %logistic3A = arith.negf %add3A_231 : vector<16x4096xf32>
      %logistic3A_232 = math.exp %logistic3A : vector<16x4096xf32>
      %logistic3A_233 = arith.constant 1.000000e+00 : f32
      %logistic3A_234 = vector.broadcast %logistic3A_233 : f32 to vector<16x4096xf32>
      %logistic3A_235 = arith.addf %logistic3A_234, %logistic3A_232 : vector<16x4096xf32>
      %logistic3A_236 = arith.divf %logistic3A_234, %logistic3A_235 : vector<16x4096xf32>
      %swap3A_237 = arith.constant 0 : index
      %swap3A_238 = arith.constant 0 : index
      %swap3A_239 = vector.load %arg13[%swap3A_237, %swap3A_238] : memref<16x4096xf32, #tpu.memory_space<vmem>>, vector<16x4096xf32>
      tpu.vector_store %arg13[%swap3A_237, %swap3A_238], %logistic3A_236 {strides = array<i32>} : memref<16x4096xf32, #tpu.memory_space<vmem>>, vector<16x4096xf32>,
    } else {
    }
    return
  }
  func.func @transform_0(%arg0: i32) -> (i32, i32) {
    %c0_i32 = arith.constant 0 : i32
    %c0_i32_0 = arith.constant 0 : i32
    return %c0_i32, %arg0 : i32, i32
  }
  func.func @transform_1(%arg0: i32) -> (i32, i32) {
    %c0_i32 = arith.constant 0 : i32
    %c0_i32_0 = arith.constant 0 : i32
    return %c0_i32, %arg0 : i32, i32
  }
  func.func @transform_2(%arg0: i32) -> (i32, i32) {
    %c0_i32 = arith.constant 0 : i32
    %c0_i32_0 = arith.constant 0 : i32
    return %arg0, %c0_i32 : i32, i32
  }
  func.func @transform_3(%arg0: i32) -> (i32, i32) {
    %c0_i32 = arith.constant 0 : i32
    %c0_i32_0 = arith.constant 0 : i32
    %c0_i32_1 = arith.constant 0 : i32
    return %c0_i32, %c0_i32_0 : i32, i32
  }
  func.func @transform_4(%arg0: i32) -> (i32, i32) {
    %c0_i32 = arith.constant 0 : i32
    %c0_i32_0 = arith.constant 0 : i32
    %c0_i32_1 = arith.constant 0 : i32
    return %c0_i32, %c0_i32_0 : i32, i32
  }
  func.func @transform_5(%arg0: i32) -> (i32, i32) {
    %c0_i32 = arith.constant 0 : i32
    %c0_i32_0 = arith.constant 0 : i32
    %c0_i32_1 = arith.constant 0 : i32
    return %c0_i32, %c0_i32_0 : i32, i32
  }
  func.func @transform_6(%arg0: i32) -> i32 {
    %c0_i32 = arith.constant 0 : i32
    %c0_i32_0 = arith.constant 0 : i32
    return %c0_i32 : i32
  }
  func.func @transform_7(%arg0: i32) -> (i32, i32) {
    %c0_i32 = arith.constant 0 : i32
    %c0_i32_0 = arith.constant 0 : i32
    %c0_i32_1 = arith.constant 0 : i32
    return %c0_i32, %c0_i32_0 : i32, i32
  }
  func.func @transform_8(%arg0: i32) -> i32 {
    %c0_i32 = arith.constant 0 : i32
    %c0_i32_0 = arith.constant 0 : i32
    return %c0_i32 : i32
  }
  func.func @transform_9(%arg0: i32) -> (i32, i32) {
    %c0_i32 = arith.constant 0 : i32
    %c0_i32_0 = arith.constant 0 : i32
    %c0_i32_1 = arith.constant 0 : i32
    return %c0_i32, %c0_i32_0 : i32, i32
  }
  func.func @transform_10(%arg0: i32) -> i32 {
    %c0_i32 = arith.constant 0 : i32
    %c0_i32_0 = arith.constant 0 : i32
    return %c0_i32 : i32
  }
  func.func @transform_11(%arg0: i32) -> i32 {
    %c0_i32 = arith.constant 0 : i32
    %c0_i32_0 = arith.constant 0 : i32
    return %c0_i32 : i32
  }
  func.func @transform_12(%arg0: i32) -> (i32, i32) {
    %c0_i32 = arith.constant 0 : i32
    %c0_i32_0 = arith.constant 0 : i32
    %c0_i32_1 = arith.constant 0 : i32
    return %c0_i32, %c0_i32_0 : i32, i32
  }
}

</mosaic_0001>

<sc_bundles>
// kernel: kernel.4.cloned.1.call-start
scs
__scs_entry_jumppad:
0x0: {  	(pc) =	sbr.rel $0x88, $3  }
0x1: {  	(tag) =	ssettag $0x0;
	lr =	simm.s32 $0x1  }
0x2: {  	[smem:$0x3F95] =	sst lr;
	_ =	strace $0xD0000000  }
0x3: {  	_ = 	snop  }
0x4: {  	_ = 	snop  }
0x5: {  	_ = 	snop  }
0x6: {  	_ = 	snop  }
0x7: {  	_ = 	snop  }
__scs_overlays_trampoline_lowered:
0x8: {  	[smem:$0x3FA4] =	sst s0  }
0x9: {  	[smem:$0x3FA5] =	sst s1  }
0xa: {  	[smem:$0x3FA6] =	sst s2  }
0xb: {  	[smem:$0x3FA7] =	sst s3  }
0xc: {  	[smem:$0x3FA8] =	sst s4  }
0xd: {  	[smem:$0x3FA9] =	sst s5  }
0xe: {  	[smem:$0x3FAA] =	sst s6  }
0xf: {  	[smem:$0x3FAB] =	sst s7  }
0x10: {  	[smem:$0x3FAC] =	sst s8  }
0x11: {  	[smem:$0x3FAD] =	sst s9;
	s0 =	simm.s32 @!p0 $0x0  }
0x12: {  	s1 =	sld [smem:$0x3F93];
	s0 =	simm.s32 @p0 $0x1  }
0x13: {  	[smem:$0x3FAE] =	sst s0;
	s0 =	simm.s32 @!p1 $0x0  }
0x14: {  	s2 =	sld [smem:$0x3F92];
	s0 =	simm.s32 @p1 $0x1  }
0x15: {  	[smem:$0x3FAF] =	sst s0;
	s0 =	simm.s32 @!p2 $0x0  }
0x16: {  	s3 =	sld [smem:$0x3FDB];
	s0 =	simm.s32 @p2 $0x1  }
0x17: {  	s4 =	simm.s32 $0x1BF5;
	[smem:$0x3FB1] =	sst s0  }
0x18: {  	s0 =	sld [smem:$0x3F94];
	_ =	swait.ge [sflag:s4], $0x0  }
0x19: {  	s7 =	sld [smem:$0x3F95]  }
0x1a: {  	s8 =	sadd.s32 $0xFFFFE003, lr  }
0x1b: {  	s9 =	sadd.s32 $0xFFFFFEF7, lr;
	s5 =	simm.s32 $0xFFFFFFFF;
	p2 =	slt.u32 s8, $0xFFFFF086  }
0x1c: {  	p1 =	slt.u32 s9, $0xF7A;
	s5 =	simm.s32 @!p2 $0x0  }
0x1d: {  	s5 =	simm.s32 @p1 $0x1;
	p0 =	seq.s32 s7, s2  }
0x1e: {  	s7 =	smul.u32 @!p0 $0xF7A, s2;
	p2 =	seq.s32 @!p0 s5, $0x0  }
0x1f: {  	s9 =	smul.u32 $0xF7A, s1;
	s8 =	simm.s32 @!p0 $0x1BF5;
	p2 =	por !p2, p0  }
0x20: {  	[sflag:s8] =	ssyncset.s32 @!p0 $0xFFFFF086;
	s6 =	sadd.s32 @!p0 s3, s7;
	s7 =	simm.s32 @!p0 $0x108  }
0x21: {  	s3 =	sadd.s32 s3, s9;
	s6 =	sadd.s32 @!p0 $0x88, s6;
	s7 =	simm.s32 @p2 $0x1082  }
0x22: {  	[simem:s7], [sflag:s8] =	dma.local @!p0 [hbm:s6], $0xF7A  }
0x23: {  	s9 =	sor.u32 $0xD0000000, s2;
	s6 =	simm.s32 $0x108;
	_ =	swait.ge @!p0 [sflag:s8], $0x0  }
0x24: {  	s3 =	sadd.s32 $0x88, s3;
	s6 =	simm.s32 @!p1 $0x1082;
	[sflag:s4] =	ssyncset.s32 $0xFFFFF086  }
0x25: {  	[simem:s6], [sflag:s4] =	dma.local [hbm:s3], $0xF7A  }
0x26: {  	[smem:$0x3F95] =	sst s1;
	(tag) =	ssettag s2;
	_ =	strace s9  }
0x27: {  	s1 =	sld [smem:$0x3FA5]  }
0x28: {  	s2 =	sld [smem:$0x3FA6]  }
0x29: {  	s4 =	sld [smem:$0x3FA8]  }
0x2a: {  	p0 =	seq.s32 s5, $0x0;
	s5 =	sld [smem:$0x3FA9]  }
0x2b: {  	s6 =	sld [smem:$0x3FAA]  }
0x2c: {  	s7 =	sld [smem:$0x3FAB]  }
0x2d: {  	s3 =	simm.s32 $0x108;
	s8 =	sld [smem:$0x3FAC]  }
0x2e: {  	s3 =	simm.s32 @!p0 $0x1082;
	s9 =	sld [smem:$0x3FAD]  }
0x2f: {  	lr =	sadd.s32 s0, s3;
	s0 =	sld [smem:$0x3FA4]  }
0x30: {  	s3 =	sld [smem:$0x3FA7]  }
0x31: {  	[smem:$0x3FB0] =	sst s10  }
0x32: {  	s10 =	sld [smem:$0x3FAE];
	_ =	sdelay $0x3  }
0x33: {  	p0 =	seq.s32 s10, $0x1;
	s10 =	sld [smem:$0x3FB0];
	_ =	sdelay $0x3  }
0x34: {  	[smem:$0x3FB0] =	sst s10  }
0x35: {  	s10 =	sld [smem:$0x3FAF];
	_ =	sdelay $0x3  }
0x36: {  	p1 =	seq.s32 s10, $0x1;
	s10 =	sld [smem:$0x3FB0];
	_ =	sdelay $0x3  }
0x37: {  	[smem:$0x3FB0] =	sst s10  }
0x38: {  	s10 =	sld [smem:$0x3FB1]  }
0x39: {  	_ = 	snop;
	(pc) =	sbr.ind lr, $3  }
0x3a: {  	_ = 	snop  }
0x3b: {  	_ = 	snop  }
0x3c: {  	p2 =	seq.s32 s10, $0x1;
	s10 =	sld [smem:$0x3FB0]  }
0x3d: {  	_ =	shalt  }
0x3e: {  	_ =	shalt  }
0x3f: {  	_ =	shalt  }
0x40: {  	_ =	shalt  }
0x41: {  	_ =	shalt  }
0x42: {  	_ =	shalt  }
0x43: {  	_ =	shalt  }
0x44: {  	_ =	shalt  }
0x45: {  	_ =	shalt  }
0x46: {  	_ =	shalt  }
0x47: {  	_ =	shalt  }
0x48: {  	_ =	shalt  }
0x49: {  	_ =	shalt  }
0x4a: {  	_ =	shalt  }
0x4b: {  	_ =	shalt  }
0x4c: {  	_ =	shalt  }
0x4d: {  	_ =	shalt  }
0x4e: {  	_ =	shalt  }
0x4f: {  	_ =	shalt  }
0x50: {  	_ =	shalt  }
0x51: {  	_ =	shalt  }
0x52: {  	_ =	shalt  }
0x53: {  	_ =	shalt  }
0x54: {  	_ =	shalt  }
0x55: {  	_ =	shalt  }
0x56: {  	_ =	shalt  }
0x57: {  	_ =	shalt  }
0x58: {  	_ =	shalt  }
0x59: {  	_ =	shalt  }
0x5a: {  	_ =	shalt  }
0x5b: {  	_ =	shalt  }
0x5c: {  	_ =	shalt  }
0x5d: {  	_ =	shalt  }
0x5e: {  	_ =	shalt  }
0x5f: {  	_ =	shalt  }
0x60: {  	_ =	shalt  }
0x61: {  	_ =	shalt  }
0x62: {  	_ =	shalt  }
0x63: {  	_ =	shalt  }
0x64: {  	_ =	shalt  }
0x65: {  	_ =	shalt  }
0x66: {  	_ =	shalt  }
0x67: {  	_ =	shalt  }
0x68: {  	_ =	shalt  }
0x69: {  	_ =	shalt  }
0x6a: {  	_ =	shalt  }
0x6b: {  	_ =	shalt  }
0x6c: {  	_ =	shalt  }
0x6d: {  	_ =	shalt  }
0x6e: {  	_ =	shalt  }
0x6f: {  	_ =	shalt  }
0x70: {  	_ =	shalt  }
0x71: {  	_ =	shalt  }
0x72: {  	_ =	shalt  }
0x73: {  	_ =	shalt  }
0x74: {  	_ =	shalt  }
0x75: {  	_ =	shalt  }
0x76: {  	_ =	shalt  }
0x77: {  	_ =	shalt  }
0x78: {  	_ =	shalt  }
0x79: {  	_ =	shalt  }
0x7a: {  	_ =	shalt  }
0x7b: {  	_ =	shalt  }
0x7c: {  	_ =	shalt  }
0x7d: {  	_ =	shalt  }
0x7e: {  	_ =	shalt  }
0x7f: {  	_ =	shalt  }
0x80: {  	_ =	shalt  }
0x81: {  	_ =	shalt  }
0x82: {  	_ =	shalt  }
0x83: {  	_ =	shalt  }
0x84: {  	_ =	shalt  }
0x85: {  	_ =	shalt  }
0x86: {  	_ =	shalt  }
0x87: {  	_ =	shalt  }
.Lfunc_end0:
.L_simem_size_0:
called_computation_lowered:
.L_overlay_start_0:
0x88: {  	s2 =	sld [smem:$0x3FD9]  }
0x89: {  	s3 =	sld [smem:$0x3FFE];
	_ =	sdelay $0x1  }
0x8a: {  	s1 =	srdreg.scid  }
0x8b: {  	s0 =	sand.u32 $0x1, s1  }
0x8c: {  	s17 =	sshll.u32 s0, $0xA;
	s2 =	sadd.s32 s3, s2  }
0x8d: {  	s2 =	sadd.s32 s2, s17  }
0x8e: {  	[smem:$0x3FBC] =	sst s2  }
0x8f: {  	_ = 	snop  }
0x90: {  	s2 =	sld [smem:$0x3FC9]  }
0x91: {  	s18 =	sld [smem:$0x3FD0];
	(tm) =	ssettm $0x1  }
0x92: {  	s4 =	sld [smem:$0x3FFB];
	_ =	sdelay $0x3  }
0x93: {  	_ =	strace s4  }
0x94: {  	s4 =	sld [smem:$0x3FFC];
	_ =	sdelay $0x3  }
0x95: {  	_ =	strace s4  }
0x96: {  	s4 =	sld [smem:$0x3FFD];
	_ =	sdelay $0x3  }
0x97: {  	_ =	strace s4  }
0x98: {  	_ =	strace $0x8FFFFFFF  }
0x99: {  	s19 =	sld [smem:$0x3FDB];
	_ =	sdelay $0x1  }
0x9a: {  	s5 =	simm.s32 $_scs_section_size  }
0x9b: {  	s6 =	simm.s32 $_size__tile_overlayer_lowered;
	s7 =	simm.s32 $_tile_overlayer_lowered  }
0x9c: {  	s22 =	simm.s32 $0x1BFF;
	s21 =	sshll.u32 s7, $0x1;
	s4 =	sadd.s32 s5, s19  }
0x9d: {  	s8 =	simm.s32 $0x0;
	s20 =	sshll.u32 s6, $0x1;
	s6 =	sadd.s32 s21, s4  }
0x9e: {  	[timem:s8], [sflag:s22] =	dma.local [hbm:s6], s20  }
0x9f: {  	_ =	swait.ge [sflag:s22], s20  }
0xa0: {  	s5 =	ssub.s32 $0x0, s20;
	[sflag:s22] =	ssyncset.done $0x0  }
0xa1: {  	[sflag:s22] =	ssyncadd.s32 s5;
	_ =	sdelay $0x1  }
0xa2: {  	s23 =	simm.s32 $0x1B8B  }
0xa3: {  	_ =	swait.ge [sflag:s23], $0x1  }
0xa4: {  	[sflag:s23] =	ssyncset.done $0x0  }
0xa5: {  	s25 =	simm.s32 $0x1B8E;
	s24 =	sld [smem:$0x3FFE];
	[sflag:s23] =	ssyncadd.s32 $0xFFFFFFFF  }
0xa6: {  	s26 =	simm.s32 $execute0_lowered;
	[smem:$0x3FD2] =	sst s25  }
0xa7: {  	s6 =	sshll.u32 s26, $0x1;
	_ =	strace $0x80000046;
	[dreg:$0x1] =	wrdreg $0xFFFFFFFF  }
0xa8: {  	s28 =	simm.s32 $_size_execute0_lowered;
	s4 =	sadd.s32 s4, s6;
	[dreg:$0x0] =	wrdreg $0x0  }
0xa9: {  	s6 =	sshll.u32 s28, $0x1;
	[dreg:$0x2] =	wrdreg s4  }
0xaa: {  	[dreg:$0x3] =	wrdreg s6  }
0xab: {  	[dreg:$0x4] =	wrdreg $0xC0  }
0xac: {  	_ =	task [dreg:s8], $0x5FFFF  }
0xad: {  	[dreg:$0x1] =	wrdreg $0xFFFFFFFF  }
0xae: {  	[dreg:$0x0] =	wrdreg $0x60  }
0xaf: {  	[dreg:$0x2] =	wrdreg s2  }
0xb0: {  	[dreg:$0x3] =	wrdreg s24  }
0xb1: {  	[dreg:$0x4] =	wrdreg s18  }
0xb2: {  	[dreg:$0x5] =	wrdreg $0x9  }
0xb3: {  	_ =	task.clear_ibuf [dreg:s8], $0x6FFFF;
	_ =	strace $0x90000046  }
0xb4: {  	s29 =	simm.s32 $0x9;
	_ =	strace $0x80000048  }
0xb5: {  	_ =	swait.ge [sflag:s29], $0x1  }
0xb6: {  	[sflag:s29] =	ssyncadd.s32 $0xFFFFFFFF  }
0xb7: {  	_ =	strace $0x90000048  }
0xb8: {  	_ =	sfence  }
0xb9: {  	s30 =	sld [smem:$0x0];
	_ =	sdelay $0x2  }
0xba: {  	s31 =	sshll.u32 s1, $0xD;
	s1 =	sshrl.u32 s1, $0x2  }
0xbb: {  	s3 =	sand.u32 $0x4000, s31;
	s1 =	sadd.s32 s1, s30  }
0xbc: {  	s0 =	sor.u32 s3, s0;
	s1 =	sshll.u32 s1, $0x11  }
0xbd: {  	s0 =	sor.u32 s1, s0  }
0xbe: {  	s0 =	sadd.s32 $0x8F2B, s0  }
0xbf: {  	[sflag:s0] =	ssyncadd.remote.s32 $0x1  }
0xc0: {  	_ =	sfence.sel $0xFFFF  }
0xc1: {  	[dreg:$0x0] =	wrdreg $0xFFFFFFFF;
	(pc) =	sbr.abs _section_cstart, $3  }
0xc2: {  	[dreg:$0x1] =	wrdreg $0xFFFFFFFF  }
0xc3: {  	_ =	task.clear_ibuf [dreg:s8], $0x2FFFF;
	_ =	strace $0x9FFFFFFF  }
0xc4: {  	(tm) =	ssettm $0x7FFFFFFF  }
0xc5: {  	_ =	shalt  }
tec
execute0_lowered:
.L_overlay_start_1:
0x0: {  	(tag) =	ssettag $0x1  }
0x1: {  	s1 =	stileid.u32  }
0x2: {  	p0 =	sgt.u32 s1, $0x7  }
.Ltmp0:
0x3: {  	s5 =	rddreg [dreg:$0x0];
	(pc) =	sbr.rel @p0 .LBB2_5-.Ltmp0, $4  }
0x4: {  	s3 =	rddreg [dreg:$0x1]  }
0x5: {  	s4 =	rddreg [dreg:$0x2];
	s2 =	simm.s32 $0x0  }
0x6: {  	[smem:$0x7FF] =	sst s2  }
0x7: {  	s0 =	rddreg [dreg:$0x3];
	_ =	strace $0x80000047  }
0x8: {  	s6 =	srdreg.scid  }
0x9: {  	s3 =	sadd.s32 $0x1400, s3;
	s7 =	sshll.u32 s1, $0x8;
	s8 =	sshrl.u32 s1, $0x2  }
0xa: {  	s10 =	simm.s32 $0x2;
	s11 =	simm.s32 $0x3;
	s6 =	sand.u32 $0x1, s6  }
0xb: {  	v0 =	vimm.f32 $1.000000000e+00;
	s7 =	sand.u32 $0x300, s7;
	s29 =	sshll.u32 s8, $0xF;
	s9 =	sshll.u32 s6, $0x7  }
0xc: {  	vm0 =	vcmask $0x704;
	vm1 =	vcmask $0xB08;
	vm14 =	vcmask $0x3F3C;
	s8 =	sshll.u32 s8, $0xD;
	s6 =	ssub.s32 $0x2, s6;
	s7 =	sor.u32 s9, s7  }
0xd: {  	vm2 =	vcmask $0xF0C;
	vm3 =	vcmask $0x1310;
	vm4 =	vcmask $0x1714;
	s31 =	sshrl.u32 s6, $0x1;
	s9 =	sor.u32 s29, s7;
	s7 =	sor.u32 s8, s7  }
0xe: {  	vm5 =	vcmask $0x1B18;
	vm6 =	vcmask $0x1F1C;
	vm7 =	vcmask $0x2320;
	s6 =	ssub.s32 s6, s31;
	s8 =	simm.s32 $0x400;
	s30 =	sshrl.u32 s9, $0x3  }
0xf: {  	vm8 =	vcmask $0x2724;
	vm9 =	vcmask $0x2B28;
	vm10 =	vcmask $0x2F2C;
	s7 =	sshrl.u32 s7, $0x3;
	s6 =	smax.u32 s6, $0x1;
	s9 =	simm.s32 $0x1  }
0x10: {  	vm11 =	vcmask $0x3330;
	vm12 =	vcmask $0x3734;
	vm13 =	vcmask $0x3B38;
	s4 =	sadd.s32 s4, s30;
	s5 =	sadd.s32 s5, s7;
	s7 =	simm.s32 $0x80  }
.LBB2_2:
0x11: {  	s12 =	simm.s32 $0x0  }
0x12: {  	[tilespmem:s12], [sflag:$0x1] =	stream.strided.gather [hbm4b:s5+s7], $0x400, s8, s7, $0x38;
	[tilespmem:$0x1400] =	vst v63  }
0x13: {  	_ = 	snop  }
0x14: {  	[tilespmem:s8], [sflag:$0x2] =	stream.linear.gather [hbm4b:s3+s12], $0x1000, $0x38;
	[tilespmem:$0x1400] =	vst v63  }
0x15: {  	_ =	swait.ge [sflag:s9], $0x400  }
0x16: {  	[sflag:s9] =	ssyncset.done $0x0  }
0x17: {  	[sflag:s9] =	ssyncadd.s32 $0xFFFFFC00  }
0x18: {  	_ =	swait.ge [sflag:s10], $0x1000  }
0x19: {  	[sflag:s10] =	ssyncset.done $0x0  }
0x1a: {  	s31 =	simm.s32 $0x0;
	[sflag:s10] =	ssyncadd.s32 $0xFFFFF000  }
0x1b: {  	v1 =	vld [tilespmem:s31+$0x0];
	_ =	sdelay $0x7  }
0x1c: {  	[tilespmem:v1+s8+$0x0] =	vst.idx.add.f32.msk $0x1, v0  }
0x1d: {  	[tilespmem:v1+s8+$0x0] =	vst.idx.add.f32.msk vm0, v0  }
0x1e: {  	[tilespmem:v1+s8+$0x0] =	vst.idx.add.f32.msk vm1, v0  }
0x1f: {  	[tilespmem:v1+s8+$0x0] =	vst.idx.add.f32.msk vm2, v0  }
0x20: {  	[tilespmem:v1+s8+$0x0] =	vst.idx.add.f32.msk vm3, v0  }
0x21: {  	[tilespmem:v1+s8+$0x0] =	vst.idx.add.f32.msk vm4, v0  }
0x22: {  	[tilespmem:v1+s8+$0x0] =	vst.idx.add.f32.msk vm5, v0  }
0x23: {  	[tilespmem:v1+s8+$0x0] =	vst.idx.add.f32.msk vm6, v0  }
0x24: {  	[tilespmem:v1+s8+$0x0] =	vst.idx.add.f32.msk vm7, v0  }
0x25: {  	[tilespmem:v1+s8+$0x0] =	vst.idx.add.f32.msk vm8, v0  }
0x26: {  	[tilespmem:v1+s8+$0x0] =	vst.idx.add.f32.msk vm9, v0  }
0x27: {  	[tilespmem:v1+s8+$0x0] =	vst.idx.add.f32.msk vm10, v0  }
0x28: {  	[tilespmem:v1+s8+$0x0] =	vst.idx.add.f32.msk vm11, v0  }
0x29: {  	[tilespmem:v1+s8+$0x0] =	vst.idx.add.f32.msk vm12, v0  }
0x2a: {  	s13 =	simm.s32 $0x80;
	s12 =	simm.s32 $0x40;
	[tilespmem:v1+s8+$0x0] =	vst.idx.add.f32.msk vm13, v0  }
.LBB2_3:
0x2b: {  	p0 =	sne.s32 s13, $0xFC0  }
0x2c: {  	s14 =	sshra.s32 s12, $0x2;
	[tilespmem:v1+s8+$0x0] =	vst.idx.add.f32.msk vm14, v0;
	s12 =	smov.u32 s13;
	s13 =	sadd.s32 $0x40, s13  }
0x2d: {  	v1 =	vld [tilespmem:s14+$0x0];
	_ =	sdelay $0x7  }
0x2e: {  	[tilespmem:v1+s8+$0x0] =	vst.idx.add.f32.msk $0x1, v0  }
0x2f: {  	[tilespmem:v1+s8+$0x0] =	vst.idx.add.f32.msk vm0, v0  }
0x30: {  	[tilespmem:v1+s8+$0x0] =	vst.idx.add.f32.msk vm1, v0  }
0x31: {  	[tilespmem:v1+s8+$0x0] =	vst.idx.add.f32.msk vm2, v0  }
0x32: {  	[tilespmem:v1+s8+$0x0] =	vst.idx.add.f32.msk vm3, v0  }
0x33: {  	[tilespmem:v1+s8+$0x0] =	vst.idx.add.f32.msk vm4, v0  }
0x34: {  	[tilespmem:v1+s8+$0x0] =	vst.idx.add.f32.msk vm5, v0  }
0x35: {  	[tilespmem:v1+s8+$0x0] =	vst.idx.add.f32.msk vm6, v0  }
0x36: {  	[tilespmem:v1+s8+$0x0] =	vst.idx.add.f32.msk vm7, v0  }
0x37: {  	[tilespmem:v1+s8+$0x0] =	vst.idx.add.f32.msk vm8, v0  }
.Ltmp1:
0x38: {  	[tilespmem:v1+s8+$0x0] =	vst.idx.add.f32.msk vm9, v0;
	(pc) =	sbr.rel @p0 .LBB2_3-.Ltmp1, $4  }
0x39: {  	[tilespmem:v1+s8+$0x0] =	vst.idx.add.f32.msk vm10, v0  }
0x3a: {  	[tilespmem:v1+s8+$0x0] =	vst.idx.add.f32.msk vm11, v0  }
0x3b: {  	[tilespmem:v1+s8+$0x0] =	vst.idx.add.f32.msk vm12, v0  }
0x3c: {  	[tilespmem:v1+s8+$0x0] =	vst.idx.add.f32.msk vm13, v0  }
0x3d: {  	_ =	sdelay $0x4  }
0x3e: {  	s12 =	sshra.s32 s12, $0x2;
	[tilespmem:v1+s8+$0x0] =	vst.idx.add.f32.msk vm14, v0  }
0x3f: {  	v1 =	vld [tilespmem:s12+$0x0];
	_ =	sdelay $0x7  }
0x40: {  	[tilespmem:v1+s8+$0x0] =	vst.idx.add.f32.msk $0x1, v0  }
0x41: {  	[tilespmem:v1+s8+$0x0] =	vst.idx.add.f32.msk vm0, v0  }
0x42: {  	[tilespmem:v1+s8+$0x0] =	vst.idx.add.f32.msk vm1, v0  }
0x43: {  	[tilespmem:v1+s8+$0x0] =	vst.idx.add.f32.msk vm2, v0  }
0x44: {  	[tilespmem:v1+s8+$0x0] =	vst.idx.add.f32.msk vm3, v0  }
0x45: {  	[tilespmem:v1+s8+$0x0] =	vst.idx.add.f32.msk vm4, v0  }
0x46: {  	[tilespmem:v1+s8+$0x0] =	vst.idx.add.f32.msk vm5, v0  }
0x47: {  	[tilespmem:v1+s8+$0x0] =	vst.idx.add.f32.msk vm6, v0  }
0x48: {  	[tilespmem:v1+s8+$0x0] =	vst.idx.add.f32.msk vm7, v0  }
0x49: {  	[tilespmem:v1+s8+$0x0] =	vst.idx.add.f32.msk vm8, v0  }
0x4a: {  	[tilespmem:v1+s8+$0x0] =	vst.idx.add.f32.msk vm9, v0  }
0x4b: {  	[tilespmem:v1+s8+$0x0] =	vst.idx.add.f32.msk vm10, v0  }
0x4c: {  	[tilespmem:v1+s8+$0x0] =	vst.idx.add.f32.msk vm11, v0  }
0x4d: {  	s2 =	sadd.s32 $0x1, s2;
	[tilespmem:v1+s8+$0x0] =	vst.idx.add.f32.msk vm12, v0  }
0x4e: {  	p0 =	sne.s32 s2, s6;
	[tilespmem:v1+s8+$0x0] =	vst.idx.add.f32.msk vm13, v0  }
.Ltmp2:
0x4f: {  	[tilespmem:v1+s8+$0x0] =	vst.idx.add.f32.msk vm14, v0;
	(pc) =	sbr.rel @p0 .LBB2_2-.Ltmp2, $4  }
0x50: {  	[hbm4b:s4+s7] =	stream.strided.scatter [tilespmem:s8], [sflag:$0x3], $0x1000, s8, s7, $0x38;
	[tilespmem:$0x1400] =	vst v63  }
0x51: {  	_ =	swait.ge [sflag:s11], $0x1000  }
0x52: {  	[sflag:s11] =	ssyncset.done $0x0  }
0x53: {  	[sflag:s11] =	ssyncadd.s32 $0xFFFFF000  }
.LBB2_5:
0x54: {  	_ =	sfence.sel $0x180000  }
0x55: {  	[bflag:$0x0] =	sbarrier.arrive $0xFFFF  }
0x56: {  	p0 =	sne.s32 s1, $0x0;
	_ =	strace $0x90000047  }
0x57: {  	s0 =	sadd.s32 @!p0 $0x100000, s0;
	[bflag:$0x2] =	sbarrier.arrive $0xFFFF  }
0x58: {  	[sflag:s0] =	ssyncadd.tile.s32 @!p0 $0x1;
	_ =	shalt  }
.Lfunc_end2:
_tile_overlayer_lowered:
.L_overlay_start_2:
0x59: {  	(tag) =	ssettag $0x2  }
0x5a: {  	s0 =	rddreg [dreg:$0x0];
	s2 =	stileid.u32  }
0x5b: {  	s1 =	rddreg [dreg:$0x1];
	p0 =	sne.s32 s2, $0x0  }
0x5c: {  	s3 =	rddreg [dreg:$0x2];
	[bflag:$0x3] =	sbarrier.arrive $0xFFFF;
	s2 =	simm.s32 @!p0 $0x1C03  }
0x5d: {  	[timem:s3], [sflag:s2] =	dma.local @!p0 [hbm:s0], s1  }
0x5e: {  	s0 =	simm.s32 @!p0 $0x3  }
0x5f: {  	_ =	swait.ge @!p0 [sflag:s0], s1  }
0x60: {  	s1 =	ssub.s32 @!p0 $0x0, s1;
	[sflag:s0] =	ssyncset.done @!p0 $0x0  }
0x61: {  	[sflag:s0] =	ssyncadd.s32 @!p0 s1  }
0x62: {  	[bflag:$0x3] =	sbarrier.arrive $0xFFFF  }
0x63: {  	_ =	shalt  }

</sc_bundles>
